<compile_context>
chip_gen: v7x
topology: tpu7x:2x2x1
jax: 0.10.2.dev20260603
libtpu: 0.0.44.dev20260713+nightly
codegen_flags: <defaults>
</compile_context>

<pallas_src>
import jax
import jax.numpy as jnp
from jax import lax
from jax.experimental import pallas as pl

_BLK = 2048
_OH = 1024


def _take_rows(table, idx):
    return lax.gather(
        table, idx[:, None],
        dimension_numbers=lax.GatherDimensionNumbers(
            offset_dims=(1,), collapsed_slice_dims=(0,), start_index_map=(0,)),
        slice_sizes=(1, table.shape[1]),
        mode=lax.GatherScatterMode.PROMISE_IN_BOUNDS)


def _mlp_body(wv, uv, pid, lid, nf, dt,
              w1w, w1u, pos_t, lang_t, w1p, w1l, w1n, b1, w2, b2,
              p_out, h_out):
    f32 = jnp.float32
    acc = jnp.dot(wv[...], w1w[...], preferred_element_type=f32)
    acc += jnp.dot(uv[...], w1u[...], preferred_element_type=f32)
    acc += jnp.dot(nf[...], w1n[...], preferred_element_type=f32)
    bf16 = jnp.bfloat16
    iota = lax.broadcasted_iota(jnp.int32, (_BLK, _OH), 1)
    poh = (iota == pid[...]).astype(bf16)
    loh = (iota == lid[...]).astype(bf16)
    pv = jnp.dot(poh, pos_t[...].astype(bf16), preferred_element_type=f32)
    lv = jnp.dot(loh, lang_t[...].astype(bf16), preferred_element_type=f32)
    acc += jnp.dot(pv, w1p[...], preferred_element_type=f32)
    acc += jnp.dot(lv, w1l[...], preferred_element_type=f32)
    h1 = jnp.maximum(acc + b1[...], 0.0)
    dp = jnp.sum(h1 * w2[...], axis=1, keepdims=True) + b2[...]
    dp = jnp.clip(dp, -6.58, 8.1)
    h = jnp.clip(jnp.exp2(dp), 0.0104, 274.0)
    p = jnp.clip(jnp.exp2(-dt[...] / h), 0.0001, 0.9999)
    p_out[...] = p
    h_out[...] = h


_NCHUNK = 2


def kernel(word_id, user_idx, pos_id, lang_id, num_features, delta_t,
           word_table, user_table, pos_table, lang_table, W1, b1, W2, b2):
    B = word_id.shape[0]
    f32 = jnp.float32
    H = B // _NCHUNK

    pos_t = jnp.pad(pos_table, ((0, _OH - pos_table.shape[0]), (0, 0)))
    lang_t = jnp.pad(lang_table, ((0, _OH - lang_table.shape[0]), (0, 0)))
    w1w = W1[0:32]
    w1u = W1[32:64]
    w1p = W1[64:72]
    w1l = W1[72:80]
    w1n = jnp.pad(W1[80:85], ((0, 3), (0, 0)))
    b1r = b1.reshape(1, 64)
    w2r = W2.reshape(1, 64)
    b2r = b2.reshape(1, 1)

    row = lambda d: pl.BlockSpec((_BLK, d), lambda i: (i, 0))
    full = lambda s: pl.BlockSpec(s, lambda i: (0, 0))
    mlp = pl.pallas_call(
        _mlp_body,
        grid=(H // _BLK,),
        in_specs=[
            row(32), row(32), row(1), row(1), row(8), row(1),
            full((32, 64)), full((32, 64)), full((_OH, 8)), full((_OH, 8)),
            full((8, 64)), full((8, 64)), full((8, 64)), full((1, 64)),
            full((1, 64)), full((1, 1)),
        ],
        out_specs=[row(1), row(1)],
        out_shape=[
            jax.ShapeDtypeStruct((H, 1), f32),
            jax.ShapeDtypeStruct((H, 1), f32),
        ],
    )

    ps, hs = [], []
    for c in range(_NCHUNK):
        sl = slice(c * H, (c + 1) * H)
        wv = _take_rows(word_table, word_id[sl])
        uv = _take_rows(user_table, user_idx[sl])
        pid2 = pos_id[sl].reshape(H, 1)
        lid2 = lang_id[sl].reshape(H, 1)
        nf8 = jnp.pad(num_features[sl], ((0, 0), (0, 3)))
        dt2 = delta_t[sl].reshape(H, 1)
        p2, h2 = mlp(wv, uv, pid2, lid2, nf8, dt2,
                     w1w, w1u, pos_t, lang_t, w1p, w1l, w1n, b1r, w2r, b2r)
        ps.append(p2.reshape(H))
        hs.append(h2.reshape(H))

    return jnp.concatenate(ps), jnp.concatenate(hs)

# --- scband reference (transcript-rebuilt; emitter-appended) ---
"""Pipeline reference for scband-deep-hlr-8022998909593 (READ-ONLY COPY).

The authoritative reference and input builder live on the scoring server;
editing this copy changes nothing except your own understanding.
"""

import jax, jax.numpy as jnp
import numpy as np

B = 16384
V_WORDS = 1000000
V_USERS = 100000
V_POS = 1000
V_LANGS = 1000


def setup_inputs(seed: int = 0) -> dict:
    key = jax.random.key(seed)
    ks = jax.random.split(key, 14)
    word_id = jax.random.randint(ks[0], (B,), 0, V_WORDS)
    user_idx = jax.random.randint(ks[1], (B,), 0, V_USERS)
    pos_id = jax.random.randint(ks[2], (B,), 0, V_POS)
    lang_id = jax.random.randint(ks[3], (B,), 0, V_LANGS)
    num_features = jax.random.normal(ks[4], (B, 5), dtype=jnp.float32)
    delta_t = jax.random.uniform(ks[5], (B,), dtype=jnp.float32)
    word_table = jax.random.normal(ks[6], (V_WORDS, 32), dtype=jnp.float32) * 0.02
    user_table = jax.random.normal(ks[7], (V_USERS, 32), dtype=jnp.float32) * 0.02
    pos_table = jax.random.normal(ks[8], (V_POS, 8), dtype=jnp.float32) * 0.02
    lang_table = jax.random.normal(ks[9], (V_LANGS, 8), dtype=jnp.float32) * 0.02
    W1 = jax.random.normal(ks[10], (85, 64), dtype=jnp.float32) * 0.1
    b1 = jnp.zeros((64,), dtype=jnp.float32)
    W2 = jax.random.normal(ks[11], (64, 1), dtype=jnp.float32) * 0.1
    b2 = jnp.zeros((1,), dtype=jnp.float32)
    return {"word_id": word_id, "user_idx": user_idx, "pos_id": pos_id, "lang_id": lang_id, "num_features": num_features, "delta_t": delta_t, "word_table": word_table, "user_table": user_table, "pos_table": pos_table, "lang_table": lang_table, "W1": W1, "b1": b1, "W2": W2, "b2": b2}


def reference(word_id, user_idx, pos_id, lang_id, num_features, delta_t, word_table, user_table, pos_table, lang_table, W1, b1, W2, b2):
    w_vec = jnp.take(word_table, word_id, axis=0)
    u_vec = jnp.take(user_table, user_idx, axis=0)
    p_vec = jnp.take(pos_table, pos_id, axis=0)
    l_vec = jnp.take(lang_table, lang_id, axis=0)
    x = jnp.concatenate([w_vec, u_vec, p_vec, l_vec, num_features], axis=1)
    h1 = jnp.maximum(x @ W1 + b1, 0.0)
    dp = (h1 @ W2 + b2)[:, 0]
    dp = jnp.clip(dp, -6.58, 8.1)
    h = jnp.clip(jnp.exp2(dp), 0.0104, 274.0)
    p = jnp.clip(jnp.exp2(-delta_t / h), 0.0001, 0.9999)
    return (p, h)

if __name__ == "__main__":
    import jax
    _d = setup_inputs()
    print(jax.jit(kernel)(*tuple(_d.values())))

</pallas_src>

<mosaic_0001>
module attributes {stable_mosaic.version = 14 : i64} {
  func.func @_mlp_body(%arg0: i32, %arg1: memref<2048x32xf32, #tpu.memory_space<vmem>>, %arg2: memref<2048x32xf32, #tpu.memory_space<vmem>>, %arg3: memref<2048x1xi32, #tpu.memory_space<vmem>>, %arg4: memref<2048x1xi32, #tpu.memory_space<vmem>>, %arg5: memref<2048x8xf32, #tpu.memory_space<vmem>>, %arg6: memref<2048x1xf32, #tpu.memory_space<vmem>>, %arg7: memref<32x64xf32, #tpu.memory_space<vmem>>, %arg8: memref<32x64xf32, #tpu.memory_space<vmem>>, %arg9: memref<1024x8xf32, #tpu.memory_space<vmem>>, %arg10: memref<1024x8xf32, #tpu.memory_space<vmem>>, %arg11: memref<8x64xf32, #tpu.memory_space<vmem>>, %arg12: memref<8x64xf32, #tpu.memory_space<vmem>>, %arg13: memref<8x64xf32, #tpu.memory_space<vmem>>, %arg14: memref<1x64xf32, #tpu.memory_space<vmem>>, %arg15: memref<1x64xf32, #tpu.memory_space<vmem>>, %arg16: memref<1x1xf32, #tpu.memory_space<vmem>>, %arg17: memref<2048x1xf32, #tpu.memory_space<vmem>>, %arg18: memref<2048x1xf32, #tpu.memory_space<vmem>>) attributes {dimension_semantics = [#tpu.dimension_semantics<arbitrary>], iteration_bounds = array<i64: 4>, scalar_prefetch = 0 : i64, scratch_operands = 0 : i64, tpu.core_type = #tpu.core_type<tc>, window_params = [{transform_indices = @transform_0, window_bounds = array<i64: 2048, 32>}, {transform_indices = @transform_1, window_bounds = array<i64: 2048, 32>}, {transform_indices = @transform_2, window_bounds = array<i64: 2048, 1>}, {transform_indices = @transform_3, window_bounds = array<i64: 2048, 1>}, {transform_indices = @transform_4, window_bounds = array<i64: 2048, 8>}, {transform_indices = @transform_5, window_bounds = array<i64: 2048, 1>}, {pipeline_mode = #tpu.pipeline_mode<synchronous>, transform_indices = @transform_6, window_bounds = array<i64: 32, 64>}, {pipeline_mode = #tpu.pipeline_mode<synchronous>, transform_indices = @transform_7, window_bounds = array<i64: 32, 64>}, {pipeline_mode = #tpu.pipeline_mode<synchronous>, transform_indices = @transform_8, window_bounds = array<i64: 1024, 8>}, {pipeline_mode = #tpu.pipeline_mode<synchronous>, transform_indices = @transform_9, window_bounds = array<i64: 1024, 8>}, {pipeline_mode = #tpu.pipeline_mode<synchronous>, transform_indices = @transform_10, window_bounds = array<i64: 8, 64>}, {pipeline_mode = #tpu.pipeline_mode<synchronous>, transform_indices = @transform_11, window_bounds = array<i64: 8, 64>}, {pipeline_mode = #tpu.pipeline_mode<synchronous>, transform_indices = @transform_12, window_bounds = array<i64: 8, 64>}, {pipeline_mode = #tpu.pipeline_mode<synchronous>, transform_indices = @transform_13, window_bounds = array<i64: 1, 64>}, {pipeline_mode = #tpu.pipeline_mode<synchronous>, transform_indices = @transform_14, window_bounds = array<i64: 1, 64>}, {pipeline_mode = #tpu.pipeline_mode<synchronous>, transform_indices = @transform_15, window_bounds = array<i64: 1, 1>}, {transform_indices = @transform_16, window_bounds = array<i64: 2048, 1>}, {transform_indices = @transform_17, window_bounds = array<i64: 2048, 1>}]} {
    %get3A = arith.constant 0 : index
    %get3A_0 = arith.constant 0 : index
    %get3A_1 = vector.load %arg1[%get3A, %get3A_0] : memref<2048x32xf32, #tpu.memory_space<vmem>>, vector<2048x32xf32>
    %get3A_2 = arith.constant 0 : index
    %get3A_3 = arith.constant 0 : index
    %get3A_4 = vector.load %arg7[%get3A_2, %get3A_3] : memref<32x64xf32, #tpu.memory_space<vmem>>, vector<32x64xf32>
    %dot_general3A = arith.constant dense<0.000000e+00> : vector<2048x64xf32>
    %dot_general3A_5 = tpu.matmul %get3A_1, %get3A_4, %dot_general3A {dimension_numbers = #tpu.dot_dimension_numbers<[1], [0], [0], [1], [0, 0, 1, 1], [], []>, transpose_lhs_hint = false} : vector<2048x32xf32>, vector<32x64xf32>, vector<2048x64xf32> -> vector<2048x64xf32>
    %get3A_6 = arith.constant 0 : index
    %get3A_7 = arith.constant 0 : index
    %get3A_8 = vector.load %arg2[%get3A_6, %get3A_7] : memref<2048x32xf32, #tpu.memory_space<vmem>>, vector<2048x32xf32>
    %get3A_9 = arith.constant 0 : index
    %get3A_10 = arith.constant 0 : index
    %get3A_11 = vector.load %arg8[%get3A_9, %get3A_10] : memref<32x64xf32, #tpu.memory_space<vmem>>, vector<32x64xf32>
    %dot_general3A_12 = arith.constant dense<0.000000e+00> : vector<2048x64xf32>
    %dot_general3A_13 = tpu.matmul %get3A_8, %get3A_11, %dot_general3A_12 {dimension_numbers = #tpu.dot_dimension_numbers<[1], [0], [0], [1], [0, 0, 1, 1], [], []>, transpose_lhs_hint = false} : vector<2048x32xf32>, vector<32x64xf32>, vector<2048x64xf32> -> vector<2048x64xf32>
    %add3A = arith.addf %dot_general3A_5, %dot_general3A_13 : vector<2048x64xf32>
    %get3A_14 = arith.constant 0 : index
    %get3A_15 = arith.constant 0 : index
    %get3A_16 = vector.load %arg5[%get3A_14, %get3A_15] : memref<2048x8xf32, #tpu.memory_space<vmem>>, vector<2048x8xf32>
    %get3A_17 = arith.constant 0 : index
    %get3A_18 = arith.constant 0 : index
    %get3A_19 = vector.load %arg13[%get3A_17, %get3A_18] : memref<8x64xf32, #tpu.memory_space<vmem>>, vector<8x64xf32>
    %dot_general3A_20 = arith.constant dense<0.000000e+00> : vector<2048x64xf32>
    %dot_general3A_21 = tpu.matmul %get3A_16, %get3A_19, %dot_general3A_20 {dimension_numbers = #tpu.dot_dimension_numbers<[1], [0], [0], [1], [0, 0, 1, 1], [], []>, transpose_lhs_hint = false} : vector<2048x8xf32>, vector<8x64xf32>, vector<2048x64xf32> -> vector<2048x64xf32>
    %add3A_22 = arith.addf %add3A, %dot_general3A_21 : vector<2048x64xf32>
    %iota3A = tpu.iota {dimensions = array<i32: 1>} : vector<2048x1024xi32>
    %get3A_23 = arith.constant 0 : index
    %get3A_24 = arith.constant 0 : index
    %get3A_25 = vector.load %arg3[%get3A_23, %get3A_24] : memref<2048x1xi32, #tpu.memory_space<vmem>>, vector<2048x1xi32>
    %eq3A = vector.broadcast %get3A_25 : vector<2048x1xi32> to vector<2048x1024xi32>
    %eq3A_26 = arith.cmpi eq, %iota3A, %eq3A : vector<2048x1024xi32>
    %convert_element_type3A = arith.extui %eq3A_26 : vector<2048x1024xi1> to vector<2048x1024xi32>
    %convert_element_type3A_27 = arith.sitofp %convert_element_type3A : vector<2048x1024xi32> to vector<2048x1024xf32>
    %convert_element_type3A_28 = arith.truncf %convert_element_type3A_27 : vector<2048x1024xf32> to vector<2048x1024xbf16>
    %get3A_29 = arith.constant 0 : index
    %get3A_30 = arith.constant 0 : index
    %get3A_31 = vector.load %arg4[%get3A_29, %get3A_30] : memref<2048x1xi32, #tpu.memory_space<vmem>>, vector<2048x1xi32>
    %eq3A_32 = vector.broadcast %get3A_31 : vector<2048x1xi32> to vector<2048x1024xi32>
    %eq3A_33 = arith.cmpi eq, %iota3A, %eq3A_32 : vector<2048x1024xi32>
    %convert_element_type3A_34 = arith.extui %eq3A_33 : vector<2048x1024xi1> to vector<2048x1024xi32>
    %convert_element_type3A_35 = arith.sitofp %convert_element_type3A_34 : vector<2048x1024xi32> to vector<2048x1024xf32>
    %convert_element_type3A_36 = arith.truncf %convert_element_type3A_35 : vector<2048x1024xf32> to vector<2048x1024xbf16>
    %get3A_37 = arith.constant 0 : index
    %get3A_38 = arith.constant 0 : index
    %get3A_39 = vector.load %arg9[%get3A_37, %get3A_38] : memref<1024x8xf32, #tpu.memory_space<vmem>>, vector<1024x8xf32>
    %convert_element_type3A_40 = arith.truncf %get3A_39 : vector<1024x8xf32> to vector<1024x8xbf16>
    %dot_general3A_41 = arith.constant dense<0.000000e+00> : vector<2048x8xf32>
    %dot_general3A_42 = tpu.matmul %convert_element_type3A_28, %convert_element_type3A_40, %dot_general3A_41 {dimension_numbers = #tpu.dot_dimension_numbers<[1], [0], [0], [1], [0, 0, 1, 1], [], []>, transpose_lhs_hint = false} : vector<2048x1024xbf16>, vector<1024x8xbf16>, vector<2048x8xf32> -> vector<2048x8xf32>
    %get3A_43 = arith.constant 0 : index
    %get3A_44 = arith.constant 0 : index
    %get3A_45 = vector.load %arg10[%get3A_43, %get3A_44] : memref<1024x8xf32, #tpu.memory_space<vmem>>, vector<1024x8xf32>
    %convert_element_type3A_46 = arith.truncf %get3A_45 : vector<1024x8xf32> to vector<1024x8xbf16>
    %dot_general3A_47 = arith.constant dense<0.000000e+00> : vector<2048x8xf32>
    %dot_general3A_48 = tpu.matmul %convert_element_type3A_36, %convert_element_type3A_46, %dot_general3A_47 {dimension_numbers = #tpu.dot_dimension_numbers<[1], [0], [0], [1], [0, 0, 1, 1], [], []>, transpose_lhs_hint = false} : vector<2048x1024xbf16>, vector<1024x8xbf16>, vector<2048x8xf32> -> vector<2048x8xf32>
    %get3A_49 = arith.constant 0 : index
    %get3A_50 = arith.constant 0 : index
    %get3A_51 = vector.load %arg11[%get3A_49, %get3A_50] : memref<8x64xf32, #tpu.memory_space<vmem>>, vector<8x64xf32>
    %dot_general3A_52 = arith.constant dense<0.000000e+00> : vector<2048x64xf32>
    %dot_general3A_53 = tpu.matmul %dot_general3A_42, %get3A_51, %dot_general3A_52 {dimension_numbers = #tpu.dot_dimension_numbers<[1], [0], [0], [1], [0, 0, 1, 1], [], []>, transpose_lhs_hint = false} : vector<2048x8xf32>, vector<8x64xf32>, vector<2048x64xf32> -> vector<2048x64xf32>
    %add3A_54 = arith.addf %add3A_22, %dot_general3A_53 : vector<2048x64xf32>
    %get3A_55 = arith.constant 0 : index
    %get3A_56 = arith.constant 0 : index
    %get3A_57 = vector.load %arg12[%get3A_55, %get3A_56] : memref<8x64xf32, #tpu.memory_space<vmem>>, vector<8x64xf32>
    %dot_general3A_58 = arith.constant dense<0.000000e+00> : vector<2048x64xf32>
    %dot_general3A_59 = tpu.matmul %dot_general3A_48, %get3A_57, %dot_general3A_58 {dimension_numbers = #tpu.dot_dimension_numbers<[1], [0], [0], [1], [0, 0, 1, 1], [], []>, transpose_lhs_hint = false} : vector<2048x8xf32>, vector<8x64xf32>, vector<2048x64xf32> -> vector<2048x64xf32>
    %add3A_60 = arith.addf %add3A_54, %dot_general3A_59 : vector<2048x64xf32>
    %get3A_61 = arith.constant 0 : index
    %get3A_62 = arith.constant 0 : index
    %get3A_63 = vector.load %arg14[%get3A_61, %get3A_62] : memref<1x64xf32, #tpu.memory_space<vmem>>, vector<1x64xf32>
    %add3A_64 = vector.broadcast %get3A_63 : vector<1x64xf32> to vector<2048x64xf32>
    %add3A_65 = arith.addf %add3A_60, %add3A_64 : vector<2048x64xf32>
    %max3A = arith.constant 0.000000e+00 : f32
    %max3A_66 = vector.broadcast %max3A : f32 to vector<2048x64xf32>
    %max3A_67 = arith.maximumf %add3A_65, %max3A_66 : vector<2048x64xf32>
    %get3A_68 = arith.constant 0 : index
    %get3A_69 = arith.constant 0 : index
    %get3A_70 = vector.load %arg15[%get3A_68, %get3A_69] : memref<1x64xf32, #tpu.memory_space<vmem>>, vector<1x64xf32>
    %mul3A = vector.broadcast %get3A_70 : vector<1x64xf32> to vector<2048x64xf32>
    %mul3A_71 = arith.mulf %max3A_67, %mul3A : vector<2048x64xf32>
    %reduce_sum3A = arith.constant dense<0.000000e+00> : vector<2048xf32>
    %reduce_sum3A_72 = vector.multi_reduction <add>, %mul3A_71, %reduce_sum3A [1] : vector<2048x64xf32> to vector<2048xf32>
    %broadcast_in_dim3A = vector.shape_cast %reduce_sum3A_72 : vector<2048xf32> to vector<2048x1xf32>
    %get3A_73 = arith.constant 0 : index
    %get3A_74 = arith.constant 0 : index
    %get3A_75 = vector.load %arg16[%get3A_73, %get3A_74] : memref<1x1xf32, #tpu.memory_space<vmem>>, vector<1x1xf32>
    %add3A_76 = vector.broadcast %get3A_75 : vector<1x1xf32> to vector<2048x1xf32>
    %add3A_77 = arith.addf %broadcast_in_dim3A, %add3A_76 : vector<2048x1xf32>
    %jit3A = arith.constant -6.580000e+00 : f32
    %jit3A_78 = arith.constant 8.100000e+00 : f32
    %max3A_79 = vector.broadcast %jit3A : f32 to vector<2048x1xf32>
    %max3A_80 = arith.maximumf %max3A_79, %add3A_77 : vector<2048x1xf32>
    %min3A = vector.broadcast %jit3A_78 : f32 to vector<2048x1xf32>
    %min3A_81 = arith.minimumf %min3A, %max3A_80 : vector<2048x1xf32>
    %exp23A = math.exp2 %min3A_81 : vector<2048x1xf32>
    %jit3A_82 = arith.constant 1.040000e-02 : f32
    %jit3A_83 = arith.constant 2.740000e+02 : f32
    %max3A_84 = vector.broadcast %jit3A_82 : f32 to vector<2048x1xf32>
    %max3A_85 = arith.maximumf %max3A_84, %exp23A : vector<2048x1xf32>
    %min3A_86 = vector.broadcast %jit3A_83 : f32 to vector<2048x1xf32>
    %min3A_87 = arith.minimumf %min3A_86, %max3A_85 : vector<2048x1xf32>
    %get3A_88 = arith.constant 0 : index
    %get3A_89 = arith.constant 0 : index
    %get3A_90 = vector.load %arg6[%get3A_88, %get3A_89] : memref<2048x1xf32, #tpu.memory_space<vmem>>, vector<2048x1xf32>
    %neg3A = arith.constant 0.000000e+00 : f32
    %neg3A_91 = vector.broadcast %neg3A : f32 to vector<2048x1xf32>
    %neg3A_92 = arith.subf %neg3A_91, %get3A_90 : vector<2048x1xf32>
    %div3A = arith.divf %neg3A_92, %min3A_87 : vector<2048x1xf32>
    %exp23A_93 = math.exp2 %div3A : vector<2048x1xf32>
    %jit3A_94 = arith.constant 9.99999974E-5 : f32
    %jit3A_95 = arith.constant 0.999899983 : f32
    %max3A_96 = vector.broadcast %jit3A_94 : f32 to vector<2048x1xf32>
    %max3A_97 = arith.maximumf %max3A_96, %exp23A_93 : vector<2048x1xf32>
    %min3A_98 = vector.broadcast %jit3A_95 : f32 to vector<2048x1xf32>
    %min3A_99 = arith.minimumf %min3A_98, %max3A_97 : vector<2048x1xf32>
    %swap3A = arith.constant 0 : index
    %swap3A_100 = arith.constant 0 : index
    %swap3A_101 = vector.load %arg17[%swap3A, %swap3A_100] : memref<2048x1xf32, #tpu.memory_space<vmem>>, vector<2048x1xf32>
    tpu.vector_store %arg17[%swap3A, %swap3A_100], %min3A_99 {strides = array<i32>} : memref<2048x1xf32, #tpu.memory_space<vmem>>, vector<2048x1xf32>,
    %swap3A_102 = arith.constant 0 : index
    %swap3A_103 = arith.constant 0 : index
    %swap3A_104 = vector.load %arg18[%swap3A_102, %swap3A_103] : memref<2048x1xf32, #tpu.memory_space<vmem>>, vector<2048x1xf32>
    tpu.vector_store %arg18[%swap3A_102, %swap3A_103], %min3A_87 {strides = array<i32>} : memref<2048x1xf32, #tpu.memory_space<vmem>>, vector<2048x1xf32>,
    return
  }
  func.func @transform_0(%arg0: i32) -> (i32, i32) {
    %c0_i32 = arith.constant 0 : i32
    %c0_i32_0 = arith.constant 0 : i32
    return %arg0, %c0_i32 : i32, i32
  }
  func.func @transform_1(%arg0: i32) -> (i32, i32) {
    %c0_i32 = arith.constant 0 : i32
    %c0_i32_0 = arith.constant 0 : i32
    return %arg0, %c0_i32 : i32, i32
  }
  func.func @transform_2(%arg0: i32) -> (i32, i32) {
    %c0_i32 = arith.constant 0 : i32
    %c0_i32_0 = arith.constant 0 : i32
    return %arg0, %c0_i32 : i32, i32
  }
  func.func @transform_3(%arg0: i32) -> (i32, i32) {
    %c0_i32 = arith.constant 0 : i32
    %c0_i32_0 = arith.constant 0 : i32
    return %arg0, %c0_i32 : i32, i32
  }
  func.func @transform_4(%arg0: i32) -> (i32, i32) {
    %c0_i32 = arith.constant 0 : i32
    %c0_i32_0 = arith.constant 0 : i32
    return %arg0, %c0_i32 : i32, i32
  }
  func.func @transform_5(%arg0: i32) -> (i32, i32) {
    %c0_i32 = arith.constant 0 : i32
    %c0_i32_0 = arith.constant 0 : i32
    return %arg0, %c0_i32 : i32, i32
  }
  func.func @transform_6(%arg0: i32) -> (i32, i32) {
    %c0_i32 = arith.constant 0 : i32
    %c0_i32_0 = arith.constant 0 : i32
    %c0_i32_1 = arith.constant 0 : i32
    return %c0_i32, %c0_i32_0 : i32, i32
  }
  func.func @transform_7(%arg0: i32) -> (i32, i32) {
    %c0_i32 = arith.constant 0 : i32
    %c0_i32_0 = arith.constant 0 : i32
    %c0_i32_1 = arith.constant 0 : i32
    return %c0_i32, %c0_i32_0 : i32, i32
  }
  func.func @transform_8(%arg0: i32) -> (i32, i32) {
    %c0_i32 = arith.constant 0 : i32
    %c0_i32_0 = arith.constant 0 : i32
    %c0_i32_1 = arith.constant 0 : i32
    return %c0_i32, %c0_i32_0 : i32, i32
  }
  func.func @transform_9(%arg0: i32) -> (i32, i32) {
    %c0_i32 = arith.constant 0 : i32
    %c0_i32_0 = arith.constant 0 : i32
    %c0_i32_1 = arith.constant 0 : i32
    return %c0_i32, %c0_i32_0 : i32, i32
  }
  func.func @transform_10(%arg0: i32) -> (i32, i32) {
    %c0_i32 = arith.constant 0 : i32
    %c0_i32_0 = arith.constant 0 : i32
    %c0_i32_1 = arith.constant 0 : i32
    return %c0_i32, %c0_i32_0 : i32, i32
  }
  func.func @transform_11(%arg0: i32) -> (i32, i32) {
    %c0_i32 = arith.constant 0 : i32
    %c0_i32_0 = arith.constant 0 : i32
    %c0_i32_1 = arith.constant 0 : i32
    return %c0_i32, %c0_i32_0 : i32, i32
  }
  func.func @transform_12(%arg0: i32) -> (i32, i32) {
    %c0_i32 = arith.constant 0 : i32
    %c0_i32_0 = arith.constant 0 : i32
    %c0_i32_1 = arith.constant 0 : i32
    return %c0_i32, %c0_i32_0 : i32, i32
  }
  func.func @transform_13(%arg0: i32) -> (i32, i32) {
    %c0_i32 = arith.constant 0 : i32
    %c0_i32_0 = arith.constant 0 : i32
    %c0_i32_1 = arith.constant 0 : i32
    return %c0_i32, %c0_i32_0 : i32, i32
  }
  func.func @transform_14(%arg0: i32) -> (i32, i32) {
    %c0_i32 = arith.constant 0 : i32
    %c0_i32_0 = arith.constant 0 : i32
    %c0_i32_1 = arith.constant 0 : i32
    return %c0_i32, %c0_i32_0 : i32, i32
  }
  func.func @transform_15(%arg0: i32) -> (i32, i32) {
    %c0_i32 = arith.constant 0 : i32
    %c0_i32_0 = arith.constant 0 : i32
    %c0_i32_1 = arith.constant 0 : i32
    return %c0_i32, %c0_i32_0 : i32, i32
  }
  func.func @transform_16(%arg0: i32) -> (i32, i32) {
    %c0_i32 = arith.constant 0 : i32
    %c0_i32_0 = arith.constant 0 : i32
    return %arg0, %c0_i32 : i32, i32
  }
  func.func @transform_17(%arg0: i32) -> (i32, i32) {
    %c0_i32 = arith.constant 0 : i32
    %c0_i32_0 = arith.constant 0 : i32
    return %arg0, %c0_i32 : i32, i32
  }
}

</mosaic_0001>

<sc_bundles>
// kernel: gather_offload_async_start.1
scs
__scs_entry_jumppad:
0x0: {  	(pc) =	sbr.rel $0x88, $3  }
0x1: {  	(tag) =	ssettag $0x0;
	lr =	simm.s32 $0x1  }
0x2: {  	[smem:$0x3F93] =	sst lr;
	_ =	strace $0xD0000000  }
0x3: {  	_ = 	snop  }
0x4: {  	_ = 	snop  }
0x5: {  	_ = 	snop  }
0x6: {  	_ = 	snop  }
0x7: {  	_ = 	snop  }
__scs_overlays_trampoline_lowered:
0x8: {  	[smem:$0x3FA2] =	sst s0  }
0x9: {  	[smem:$0x3FA3] =	sst s1  }
0xa: {  	[smem:$0x3FA4] =	sst s2  }
0xb: {  	[smem:$0x3FA5] =	sst s3  }
0xc: {  	[smem:$0x3FA6] =	sst s4  }
0xd: {  	[smem:$0x3FA7] =	sst s5  }
0xe: {  	[smem:$0x3FA8] =	sst s6  }
0xf: {  	[smem:$0x3FA9] =	sst s7  }
0x10: {  	[smem:$0x3FAA] =	sst s8  }
0x11: {  	[smem:$0x3FAB] =	sst s9;
	s0 =	simm.s32 @!p0 $0x0  }
0x12: {  	s1 =	sld [smem:$0x3F91];
	s0 =	simm.s32 @p0 $0x1  }
0x13: {  	[smem:$0x3FAC] =	sst s0;
	s0 =	simm.s32 @!p1 $0x0  }
0x14: {  	s2 =	sld [smem:$0x3F90];
	s0 =	simm.s32 @p1 $0x1  }
0x15: {  	[smem:$0x3FAD] =	sst s0;
	s0 =	simm.s32 @!p2 $0x0  }
0x16: {  	s3 =	sld [smem:$0x3FDB];
	s0 =	simm.s32 @p2 $0x1  }
0x17: {  	s4 =	simm.s32 $0x1BF5;
	[smem:$0x3FAF] =	sst s0  }
0x18: {  	s0 =	sld [smem:$0x3F92];
	_ =	swait.ge [sflag:s4], $0x0  }
0x19: {  	s7 =	sld [smem:$0x3F93]  }
0x1a: {  	s8 =	sadd.s32 $0xFFFFE003, lr  }
0x1b: {  	s9 =	sadd.s32 $0xFFFFFEF7, lr;
	s5 =	simm.s32 $0xFFFFFFFF;
	p2 =	slt.u32 s8, $0xFFFFF086  }
0x1c: {  	p1 =	slt.u32 s9, $0xF7A;
	s5 =	simm.s32 @!p2 $0x0  }
0x1d: {  	s5 =	simm.s32 @p1 $0x1;
	p0 =	seq.s32 s7, s2  }
0x1e: {  	s7 =	smul.u32 @!p0 $0xF7A, s2;
	p2 =	seq.s32 @!p0 s5, $0x0  }
0x1f: {  	s9 =	smul.u32 $0xF7A, s1;
	s8 =	simm.s32 @!p0 $0x1BF5;
	p2 =	por !p2, p0  }
0x20: {  	[sflag:s8] =	ssyncset.s32 @!p0 $0xFFFFF086;
	s6 =	sadd.s32 @!p0 s3, s7;
	s7 =	simm.s32 @!p0 $0x108  }
0x21: {  	s3 =	sadd.s32 s3, s9;
	s6 =	sadd.s32 @!p0 $0x88, s6;
	s7 =	simm.s32 @p2 $0x1082  }
0x22: {  	[simem:s7], [sflag:s8] =	dma.local @!p0 [hbm:s6], $0xF7A  }
0x23: {  	s9 =	sor.u32 $0xD0000000, s2;
	s6 =	simm.s32 $0x108;
	_ =	swait.ge @!p0 [sflag:s8], $0x0  }
0x24: {  	s3 =	sadd.s32 $0x88, s3;
	s6 =	simm.s32 @!p1 $0x1082;
	[sflag:s4] =	ssyncset.s32 $0xFFFFF086  }
0x25: {  	[simem:s6], [sflag:s4] =	dma.local [hbm:s3], $0xF7A  }
0x26: {  	[smem:$0x3F93] =	sst s1;
	(tag) =	ssettag s2;
	_ =	strace s9  }
0x27: {  	s1 =	sld [smem:$0x3FA3]  }
0x28: {  	s2 =	sld [smem:$0x3FA4]  }
0x29: {  	s4 =	sld [smem:$0x3FA6]  }
0x2a: {  	p0 =	seq.s32 s5, $0x0;
	s5 =	sld [smem:$0x3FA7]  }
0x2b: {  	s6 =	sld [smem:$0x3FA8]  }
0x2c: {  	s7 =	sld [smem:$0x3FA9]  }
0x2d: {  	s3 =	simm.s32 $0x108;
	s8 =	sld [smem:$0x3FAA]  }
0x2e: {  	s3 =	simm.s32 @!p0 $0x1082;
	s9 =	sld [smem:$0x3FAB]  }
0x2f: {  	lr =	sadd.s32 s0, s3;
	s0 =	sld [smem:$0x3FA2]  }
0x30: {  	s3 =	sld [smem:$0x3FA5]  }
0x31: {  	[smem:$0x3FAE] =	sst s10  }
0x32: {  	s10 =	sld [smem:$0x3FAC];
	_ =	sdelay $0x3  }
0x33: {  	p0 =	seq.s32 s10, $0x1;
	s10 =	sld [smem:$0x3FAE];
	_ =	sdelay $0x3  }
0x34: {  	[smem:$0x3FAE] =	sst s10  }
0x35: {  	s10 =	sld [smem:$0x3FAD];
	_ =	sdelay $0x3  }
0x36: {  	p1 =	seq.s32 s10, $0x1;
	s10 =	sld [smem:$0x3FAE];
	_ =	sdelay $0x3  }
0x37: {  	[smem:$0x3FAE] =	sst s10  }
0x38: {  	s10 =	sld [smem:$0x3FAF]  }
0x39: {  	_ = 	snop;
	(pc) =	sbr.ind lr, $3  }
0x3a: {  	_ = 	snop  }
0x3b: {  	_ = 	snop  }
0x3c: {  	p2 =	seq.s32 s10, $0x1;
	s10 =	sld [smem:$0x3FAE]  }
0x3d: {  	_ =	shalt  }
0x3e: {  	_ =	shalt  }
0x3f: {  	_ =	shalt  }
0x40: {  	_ =	shalt  }
0x41: {  	_ =	shalt  }
0x42: {  	_ =	shalt  }
0x43: {  	_ =	shalt  }
0x44: {  	_ =	shalt  }
0x45: {  	_ =	shalt  }
0x46: {  	_ =	shalt  }
0x47: {  	_ =	shalt  }
0x48: {  	_ =	shalt  }
0x49: {  	_ =	shalt  }
0x4a: {  	_ =	shalt  }
0x4b: {  	_ =	shalt  }
0x4c: {  	_ =	shalt  }
0x4d: {  	_ =	shalt  }
0x4e: {  	_ =	shalt  }
0x4f: {  	_ =	shalt  }
0x50: {  	_ =	shalt  }
0x51: {  	_ =	shalt  }
0x52: {  	_ =	shalt  }
0x53: {  	_ =	shalt  }
0x54: {  	_ =	shalt  }
0x55: {  	_ =	shalt  }
0x56: {  	_ =	shalt  }
0x57: {  	_ =	shalt  }
0x58: {  	_ =	shalt  }
0x59: {  	_ =	shalt  }
0x5a: {  	_ =	shalt  }
0x5b: {  	_ =	shalt  }
0x5c: {  	_ =	shalt  }
0x5d: {  	_ =	shalt  }
0x5e: {  	_ =	shalt  }
0x5f: {  	_ =	shalt  }
0x60: {  	_ =	shalt  }
0x61: {  	_ =	shalt  }
0x62: {  	_ =	shalt  }
0x63: {  	_ =	shalt  }
0x64: {  	_ =	shalt  }
0x65: {  	_ =	shalt  }
0x66: {  	_ =	shalt  }
0x67: {  	_ =	shalt  }
0x68: {  	_ =	shalt  }
0x69: {  	_ =	shalt  }
0x6a: {  	_ =	shalt  }
0x6b: {  	_ =	shalt  }
0x6c: {  	_ =	shalt  }
0x6d: {  	_ =	shalt  }
0x6e: {  	_ =	shalt  }
0x6f: {  	_ =	shalt  }
0x70: {  	_ =	shalt  }
0x71: {  	_ =	shalt  }
0x72: {  	_ =	shalt  }
0x73: {  	_ =	shalt  }
0x74: {  	_ =	shalt  }
0x75: {  	_ =	shalt  }
0x76: {  	_ =	shalt  }
0x77: {  	_ =	shalt  }
0x78: {  	_ =	shalt  }
0x79: {  	_ =	shalt  }
0x7a: {  	_ =	shalt  }
0x7b: {  	_ =	shalt  }
0x7c: {  	_ =	shalt  }
0x7d: {  	_ =	shalt  }
0x7e: {  	_ =	shalt  }
0x7f: {  	_ =	shalt  }
0x80: {  	_ =	shalt  }
0x81: {  	_ =	shalt  }
0x82: {  	_ =	shalt  }
0x83: {  	_ =	shalt  }
0x84: {  	_ =	shalt  }
0x85: {  	_ =	shalt  }
0x86: {  	_ =	shalt  }
0x87: {  	_ =	shalt  }
.Lfunc_end0:
.L_simem_size_0:
called_computation.1_lowered:
.L_overlay_start_0:
0x88: {  	s2 =	sld [smem:$0x3FD9]  }
0x89: {  	s3 =	sld [smem:$0x3FFE];
	_ =	sdelay $0x1  }
0x8a: {  	s1 =	srdreg.scid  }
0x8b: {  	s0 =	sand.u32 $0x1, s1  }
0x8c: {  	s17 =	sshll.u32 s0, $0xA;
	s2 =	sadd.s32 s3, s2  }
0x8d: {  	s2 =	sadd.s32 s2, s17  }
0x8e: {  	[smem:$0x3FBA] =	sst s2  }
0x8f: {  	_ = 	snop  }
0x90: {  	(tm) =	ssettm $0x1  }
0x91: {  	s18 =	sld [smem:$0x3FFB];
	_ =	sdelay $0x3  }
0x92: {  	_ =	strace s18  }
0x93: {  	s2 =	sld [smem:$0x3FFC];
	_ =	sdelay $0x3  }
0x94: {  	_ =	strace s2  }
0x95: {  	s2 =	sld [smem:$0x3FFD];
	_ =	sdelay $0x3  }
0x96: {  	_ =	strace s2  }
0x97: {  	_ =	strace $0x8FFFFFFF  }
0x98: {  	s19 =	sld [smem:$0x3FDB];
	_ =	sdelay $0x1  }
0x99: {  	s20 =	simm.s32 $_scs_section_size  }
0x9a: {  	s4 =	simm.s32 $_size__tile_overlayer_lowered;
	s5 =	simm.s32 $_tile_overlayer_lowered  }
0x9b: {  	s6 =	simm.s32 $0x1BFF;
	s21 =	sshll.u32 s5, $0x1;
	s3 =	sadd.s32 s20, s19  }
0x9c: {  	s22 =	simm.s32 $0x0;
	s4 =	sshll.u32 s4, $0x1;
	s5 =	sadd.s32 s21, s3  }
0x9d: {  	[timem:s22], [sflag:s6] =	dma.local [hbm:s5], s4  }
0x9e: {  	_ =	swait.ge [sflag:s6], s4  }
0x9f: {  	s4 =	ssub.s32 $0x0, s4;
	[sflag:s6] =	ssyncset.done $0x0  }
0xa0: {  	[sflag:s6] =	ssyncadd.s32 s4;
	_ =	sdelay $0x1  }
0xa1: {  	s23 =	simm.s32 $0x1B8B  }
0xa2: {  	_ =	swait.ge [sflag:s23], $0x1  }
0xa3: {  	[sflag:s23] =	ssyncset.done $0x0  }
0xa4: {  	[sflag:s23] =	ssyncadd.s32 $0xFFFFFFFF  }
0xa5: {  	s4 =	sld [smem:$0x0]  }
0xa6: {  	s5 =	sand.u32 $0xFFFFFFFE, s1  }
0xa7: {  	p0 =	sne.s32 s1, s5  }
0xa8: {  	s5 =	sshll.u32 @p0 s5, $0xE  }
0xa9: {  	s5 =	sadd.s32 @p0 $0x11B8D, s5;
	s6 =	sshll.u32 @p0 s4, $0x11  }
0xaa: {  	s5 =	sor.u32 @p0 s6, s5  }
0xab: {  	[sflag:s5] =	ssyncadd.remote.s32 @p0 $0x1;
	_ =	sdelay $0x1  }
0xac: {  	s5 =	simm.s32 @p0 $0x1B8D  }
0xad: {  	_ =	swait.eq @p0 [sflag:s5], $0x1  }
0xae: {  	[sflag:s5] =	ssyncadd.s32 @p0 $0xFFFFFFFF  }
0xaf: {  	s6 =	sshll.u32 @!p0 s1, $0xE  }
0xb0: {  	s6 =	sor.u32 @!p0 $0x4000, s6;
	s5 =	simm.s32 @!p0 $0x1B8D  }
0xb1: {  	s4 =	sshll.u32 @!p0 s4, $0x11;
	s6 =	sadd.s32 @!p0 $0x11B8D, s6;
	_ =	swait.eq @!p0 [sflag:s5], $0x1  }
0xb2: {  	s4 =	sor.u32 @!p0 s4, s6;
	[sflag:s5] =	ssyncadd.s32 @!p0 $0xFFFFFFFF  }
0xb3: {  	s25 =	simm.s32 $0x1B8E;
	s24 =	sld [smem:$0x3FFE];
	[sflag:s4] =	ssyncadd.remote.s32 @!p0 $0x1  }
0xb4: {  	s26 =	simm.s32 $execute0_lowered;
	[smem:$0x3FD2] =	sst s25  }
0xb5: {  	s5 =	sshll.u32 s26, $0x1;
	_ =	strace $0x80000049;
	[dreg:$0x1] =	wrdreg $0xFFFFFFFF  }
0xb6: {  	s28 =	simm.s32 $_size_execute0_lowered;
	s3 =	sadd.s32 s3, s5;
	[dreg:$0x0] =	wrdreg $0x0  }
0xb7: {  	s5 =	sshll.u32 s28, $0x1;
	[dreg:$0x2] =	wrdreg s3  }
0xb8: {  	[dreg:$0x3] =	wrdreg s5  }
0xb9: {  	[dreg:$0x4] =	wrdreg $0xC0  }
0xba: {  	_ =	task [dreg:s22], $0x5FFFF  }
0xbb: {  	[dreg:$0x1] =	wrdreg $0xFFFFFFFF  }
0xbc: {  	[dreg:$0x0] =	wrdreg $0x60  }
0xbd: {  	[dreg:$0x2] =	wrdreg s24  }
0xbe: {  	[dreg:$0x3] =	wrdreg $0xA  }
0xbf: {  	_ =	task.clear_ibuf [dreg:s22], $0x4FFFF;
	_ =	strace $0x90000049  }
0xc0: {  	s29 =	simm.s32 $0xA;
	_ =	strace $0x8000004B  }
0xc1: {  	_ =	swait.ge [sflag:s29], $0x1  }
0xc2: {  	[sflag:s29] =	ssyncadd.s32 $0xFFFFFFFF  }
0xc3: {  	_ =	strace $0x9000004B  }
0xc4: {  	_ =	sfence  }
0xc5: {  	s30 =	sld [smem:$0x0];
	_ =	sdelay $0x2  }
0xc6: {  	s31 =	sshll.u32 s1, $0xD;
	s1 =	sshrl.u32 s1, $0x2  }
0xc7: {  	s4 =	sand.u32 $0x4000, s31;
	s1 =	sadd.s32 s1, s30  }
0xc8: {  	s0 =	sor.u32 s4, s0;
	s1 =	sshll.u32 s1, $0x11  }
0xc9: {  	s0 =	sor.u32 s1, s0  }
0xca: {  	s0 =	sadd.s32 $0x8F2B, s0  }
0xcb: {  	[sflag:s0] =	ssyncadd.remote.s32 $0x1  }
0xcc: {  	_ =	sfence.sel $0xFFFF  }
0xcd: {  	[dreg:$0x0] =	wrdreg $0xFFFFFFFF;
	(pc) =	sbr.abs _section_cstart, $3  }
0xce: {  	[dreg:$0x1] =	wrdreg $0xFFFFFFFF  }
0xcf: {  	_ =	task.clear_ibuf [dreg:s22], $0x2FFFF;
	_ =	strace $0x9FFFFFFF  }
0xd0: {  	(tm) =	ssettm $0x7FFFFFFF  }
0xd1: {  	_ =	shalt  }
tec
execute0_lowered:
.L_overlay_start_1:
0x0: {  	(tag) =	ssettag $0x1  }
0x1: {  	s7 =	rddreg [dreg:$0x0]  }
0x2: {  	s0 =	rddreg [dreg:$0x1];
	_ =	strace $0x8000004A  }
0x3: {  	s1 =	srdreg.scid;
	s4 =	simm.s32 $0x1;
	s9 =	simm.s32 $0x3  }
0x4: {  	s12 =	simm.s32 $0x0;
	s10 =	simm.s32 $0x0;
	s5 =	sshll.u32 s1, $0x4  }
.Ltmp0:
0x5: {  	s1 =	stileid.u32;
	s5 =	sand.u32 $0x10, s5;
	(pc) =	sbr.rel .LBB2_1-.Ltmp0, $4  }
0x6: {  	s2 =	sadd.s32 $0x3A00, s7;
	s3 =	sadd.s32 $0x196C00, s7;
	s6 =	sor.u32 s1, s5  }
0x7: {  	[sflag:s4] =	ssyncpa.u1 $0x0;
	s5 =	simm.s32 $0x2;
	s6 =	sshll.u32 s6, $0x8  }
0x8: {  	s7 =	sadd.s32 $0x197400, s7;
	[sflag:s5] =	ssyncpa.u1 $0x0;
	s8 =	sadd.s32 $0x100, s6  }
0x9: {  	vm0 =	vmmov $0xff;
	vm1 =	vcmask $0x3F20;
	[sflag:s9] =	ssyncpa.u1 $0x0;
	s9 =	simm.s32 $0x100;
	s11 =	smov.u32 s6  }
.LBB2_9:
0xa: {  	p0 =	seq.s32 s10, $0x2  }
.Ltmp1:
0xb: {  	_ = 	snop;
	(pc) =	sbr.rel @p0 .LBB2_11-.Ltmp1, $1  }
0xc: {  	_ =	sdelay $0x3  }
.LBB2_10:
0xd: {  	s12 =	sadd.s32 $0x100, s11  }
0xe: {  	s13 =	smov.u32 s6;
	p0 =	slt.s32 s12, s8  }
0xf: {  	s13 =	smov.u32 @p0 s12  }
0x10: {  	s10 =	sadd.s32 $0x1, s10;
	s12 =	smov.u32 s11;
	s11 =	smov.u32 s13  }
.LBB2_1:
0x11: {  	p0 =	sne.s32 s10, $0x0  }
.Ltmp2:
0x12: {  	_ = 	snop;
	(pc) =	sbr.rel @!p0 .LBB2_2-.Ltmp2, $1  }
0x13: {  	_ =	sdelay $0x3  }
0x14: {  	s13 =	sand.u32 $0x1, s10  }
0x15: {  	p0 =	seq.s32 s13, $0x0  }
.Ltmp3:
0x16: {  	_ = 	snop;
	(pc) =	sbr.rel @p0 .LBB2_9-.Ltmp3, $1  }
0x17: {  	_ =	sdelay $0x3  }
0x18: {  	_ =	swait.ge [sflag:s5], $0x100  }
0x19: {  	[sflag:s5] =	ssyncset.done $0x0  }
0x1a: {  	s13 =	simm.s32 $0x0;
	[sflag:s5] =	ssyncadd.s32 $0xFFFFFF00  }
0x1b: {  	v0 =	vld.msk [tilespmem:s13+$0x100 ss:$0x1], $0xffff;
	_ =	sdelay $0x4  }
0x1c: {  	vm2 =	vgt.s32 v0, $0x0  }
0x1d: {  	v0 =	vnsel vm2, $0x0, v0  }
0x1e: {  	v0 =	vmin.u32 v0, $0x1869F  }
0x1f: {  	v0 =	vshll.u32 v0, $0x4;
	_ =	sdelay $0x3  }
0x20: {  	s13 =	simm.s32 $0x8200  }
0x21: {  	[tilespmem:s13], [sflag:$0x1] =	stream.indirect_vreg.gather [hbm:s2], $0x80, v0, vm0, $0x38;
	[tilespmem:$0x10200] =	vst v63  }
0x22: {  	s14 =	simm.s32 $0x8600;
	s31 =	simm.s32 $0x10  }
0x23: {  	[tilespmem:s14], [sflag:$0x1] =	stream.indirect_vreg.gather [hbm:s2], $0x80, v0, vm1, $0x38;
	[tilespmem:$0x10200] =	vst v63  }
0x24: {  	s14 =	simm.s32 $0x80;
	v0 =	vld.msk [tilespmem:s31+$0x100 ss:$0x1], $0xffff  }
.LBB2_5:
0x25: {  	p0 =	sne.s32 s14, $0x3C0;
	_ =	sdelay $0x4  }
0x26: {  	vm2 =	vgt.s32 v0, $0x0  }
0x27: {  	v0 =	vnsel vm2, $0x0, v0  }
0x28: {  	v0 =	vmin.u32 v0, $0x1869F  }
0x29: {  	v0 =	vshll.u32 v0, $0x4;
	_ =	sdelay $0x3  }
.Ltmp4:
0x2a: {  	s13 =	sadd.s32 $0x800, s13;
	(pc) =	sbr.rel @p0 .LBB2_5-.Ltmp4, $4  }
0x2b: {  	[tilespmem:s13], [sflag:$0x1] =	stream.indirect_vreg.gather [hbm:s2], $0x80, v0, vm0, $0x38;
	[tilespmem:$0x10200] =	vst v63  }
0x2c: {  	s15 =	sshra.s32 s14, $0x2;
	s16 =	sadd.s32 $0x400, s13  }
0x2d: {  	[tilespmem:s16], [sflag:$0x1] =	stream.indirect_vreg.gather [hbm:s2], $0x80, v0, vm1, $0x38;
	[tilespmem:$0x10200] =	vst v63  }
0x2e: {  	s14 =	sadd.s32 $0x40, s14;
	v0 =	vld.msk [tilespmem:s15+$0x100 ss:$0x1], $0xffff  }
0x2f: {  	_ =	sdelay $0x3  }
0x30: {  	vm2 =	vgt.s32 v0, $0x0  }
0x31: {  	v0 =	vnsel vm2, $0x0, v0  }
0x32: {  	v0 =	vmin.u32 v0, $0x1869F  }
0x33: {  	v0 =	vshll.u32 v0, $0x4;
	_ =	sdelay $0x3  }
0x34: {  	s13 =	sadd.s32 $0x800, s13  }
0x35: {  	[tilespmem:s13], [sflag:$0x1] =	stream.indirect_vreg.gather [hbm:s2], $0x80, v0, vm0, $0x38;
	[tilespmem:$0x10200] =	vst v63  }
0x36: {  	s13 =	sadd.s32 $0x400, s13  }
0x37: {  	[tilespmem:s13], [sflag:$0x1] =	stream.indirect_vreg.gather [hbm:s2], $0x80, v0, vm1, $0x38;
	[tilespmem:$0x10200] =	vst v63  }
0x38: {  	s12 =	sshll.u32 s12, $0x4;
	s14 =	simm.s32 $0x80;
	_ =	swait.ge [sflag:s4], $0x8000  }
0x39: {  	s15 =	simm.s32 $0x8600;
	s12 =	sadd.s32 s12, s7;
	[sflag:s4] =	ssyncset.done $0x0  }
0x3a: {  	s16 =	sadd.s32 $0x0, s12;
	s13 =	simm.s32 $0x8200;
	[sflag:s4] =	ssyncadd.s32 $0xFFFF8000  }
.LBB2_7:
0x3b: {  	[hbm:s16] =	stream.linear.scatter [tilespmem:s13], [sflag:$0x3], $0x400, $0x38;
	[tilespmem:$0x10200] =	vst v63  }
0x3c: {  	s16 =	smov.u32 s14;
	s13 =	smov.u32 s15;
	p0 =	sne.s32 s14, $0xF80  }
.Ltmp5:
0x3d: {  	s14 =	sadd.s32 $0x80, s14;
	(pc) =	sbr.rel @p0 .LBB2_7-.Ltmp5, $2  }
0x3e: {  	_ =	sdelay $0x2  }
0x3f: {  	s15 =	sadd.s32 $0x400, s15;
	s16 =	sadd.s32 s16, s12  }
.Ltmp6:
0x40: {  	(pc) =	sbr.rel .LBB2_9-.Ltmp6, $2  }
0x41: {  	_ =	sdelay $0x2  }
0x42: {  	[hbm:s16] =	stream.linear.scatter [tilespmem:s13], [sflag:$0x3], $0x400, $0x38;
	[tilespmem:$0x10200] =	vst v63  }
.LBB2_2:
.Ltmp7:
0x43: {  	(pc) =	sbr.rel .LBB2_10-.Ltmp7, $4  }
0x44: {  	_ = 	snop  }
0x45: {  	s12 =	sshrl.u32 s11, $0x3  }
0x46: {  	s13 =	sand.u32 $0x7, s11;
	s12 =	sadd.s32 s3, s12  }
0x47: {  	[tilespmem:s9], [sflag:$0x2] =	stream.linear.gather [hbm4b:s12+s13], $0x100, $0x38;
	[tilespmem:$0x10200] =	vst v63  }
.LBB2_11:
0x48: {  	s2 =	simm.s32 $0x3  }
0x49: {  	_ =	swait.ge [sflag:s2], $0x8000  }
0x4a: {  	[sflag:s2] =	ssyncset.done $0x0  }
0x4b: {  	[sflag:s2] =	ssyncadd.s32 $0xFFFF8000  }
0x4c: {  	_ =	sfence.sel $0x180000  }
0x4d: {  	s3 =	simm.s32 $0x2;
	[bflag:$0x0] =	sbarrier.arrive $0xFFFF  }
0x4e: {  	[sflag:s3] =	ssyncpa.u1 $0x1  }
0x4f: {  	s31 =	simm.s32 $0x1;
	[sflag:s2] =	ssyncpa.u1 $0x1  }
0x50: {  	[sflag:s31] =	ssyncpa.u1 $0x1  }
0x51: {  	p0 =	sne.s32 s1, $0x0;
	_ =	strace $0x9000004A  }
0x52: {  	s0 =	sadd.s32 @!p0 $0x100000, s0;
	[bflag:$0x2] =	sbarrier.arrive $0xFFFF  }
0x53: {  	[sflag:s0] =	ssyncadd.tile.s32 @!p0 $0x1;
	_ =	shalt  }
.Lfunc_end2:
_tile_overlayer_lowered:
.L_overlay_start_2:
0x54: {  	(tag) =	ssettag $0x2  }
0x55: {  	s0 =	rddreg [dreg:$0x0];
	s2 =	stileid.u32  }
0x56: {  	s1 =	rddreg [dreg:$0x1];
	p0 =	sne.s32 s2, $0x0  }
0x57: {  	s3 =	rddreg [dreg:$0x2];
	[bflag:$0x3] =	sbarrier.arrive $0xFFFF;
	s2 =	simm.s32 @!p0 $0x1C01  }
0x58: {  	[timem:s3], [sflag:s2] =	dma.local @!p0 [hbm:s0], s1  }
0x59: {  	s0 =	simm.s32 @!p0 $0x1  }
0x5a: {  	_ =	swait.ge @!p0 [sflag:s0], s1  }
0x5b: {  	s1 =	ssub.s32 @!p0 $0x0, s1;
	[sflag:s0] =	ssyncset.done @!p0 $0x0  }
0x5c: {  	[sflag:s0] =	ssyncadd.s32 @!p0 s1  }
0x5d: {  	[bflag:$0x3] =	sbarrier.arrive $0xFFFF  }
0x5e: {  	_ =	shalt  }

// kernel: gather_offload_async_start.2
scs
__scs_entry_jumppad:
0x0: {  	(pc) =	sbr.rel $0x88, $3  }
0x1: {  	(tag) =	ssettag $0x0;
	lr =	simm.s32 $0x1  }
0x2: {  	[smem:$0x3F93] =	sst lr;
	_ =	strace $0xD0000000  }
0x3: {  	_ = 	snop  }
0x4: {  	_ = 	snop  }
0x5: {  	_ = 	snop  }
0x6: {  	_ = 	snop  }
0x7: {  	_ = 	snop  }
__scs_overlays_trampoline_lowered:
0x8: {  	[smem:$0x3FA2] =	sst s0  }
0x9: {  	[smem:$0x3FA3] =	sst s1  }
0xa: {  	[smem:$0x3FA4] =	sst s2  }
0xb: {  	[smem:$0x3FA5] =	sst s3  }
0xc: {  	[smem:$0x3FA6] =	sst s4  }
0xd: {  	[smem:$0x3FA7] =	sst s5  }
0xe: {  	[smem:$0x3FA8] =	sst s6  }
0xf: {  	[smem:$0x3FA9] =	sst s7  }
0x10: {  	[smem:$0x3FAA] =	sst s8  }
0x11: {  	[smem:$0x3FAB] =	sst s9;
	s0 =	simm.s32 @!p0 $0x0  }
0x12: {  	s1 =	sld [smem:$0x3F91];
	s0 =	simm.s32 @p0 $0x1  }
0x13: {  	[smem:$0x3FAC] =	sst s0;
	s0 =	simm.s32 @!p1 $0x0  }
0x14: {  	s2 =	sld [smem:$0x3F90];
	s0 =	simm.s32 @p1 $0x1  }
0x15: {  	[smem:$0x3FAD] =	sst s0;
	s0 =	simm.s32 @!p2 $0x0  }
0x16: {  	s3 =	sld [smem:$0x3FDB];
	s0 =	simm.s32 @p2 $0x1  }
0x17: {  	s4 =	simm.s32 $0x1BF5;
	[smem:$0x3FAF] =	sst s0  }
0x18: {  	s0 =	sld [smem:$0x3F92];
	_ =	swait.ge [sflag:s4], $0x0  }
0x19: {  	s7 =	sld [smem:$0x3F93]  }
0x1a: {  	s8 =	sadd.s32 $0xFFFFE003, lr  }
0x1b: {  	s9 =	sadd.s32 $0xFFFFFEF7, lr;
	s5 =	simm.s32 $0xFFFFFFFF;
	p2 =	slt.u32 s8, $0xFFFFF086  }
0x1c: {  	p1 =	slt.u32 s9, $0xF7A;
	s5 =	simm.s32 @!p2 $0x0  }
0x1d: {  	s5 =	simm.s32 @p1 $0x1;
	p0 =	seq.s32 s7, s2  }
0x1e: {  	s7 =	smul.u32 @!p0 $0xF7A, s2;
	p2 =	seq.s32 @!p0 s5, $0x0  }
0x1f: {  	s9 =	smul.u32 $0xF7A, s1;
	s8 =	simm.s32 @!p0 $0x1BF5;
	p2 =	por !p2, p0  }
0x20: {  	[sflag:s8] =	ssyncset.s32 @!p0 $0xFFFFF086;
	s6 =	sadd.s32 @!p0 s3, s7;
	s7 =	simm.s32 @!p0 $0x108  }
0x21: {  	s3 =	sadd.s32 s3, s9;
	s6 =	sadd.s32 @!p0 $0x88, s6;
	s7 =	simm.s32 @p2 $0x1082  }
0x22: {  	[simem:s7], [sflag:s8] =	dma.local @!p0 [hbm:s6], $0xF7A  }
0x23: {  	s9 =	sor.u32 $0xD0000000, s2;
	s6 =	simm.s32 $0x108;
	_ =	swait.ge @!p0 [sflag:s8], $0x0  }
0x24: {  	s3 =	sadd.s32 $0x88, s3;
	s6 =	simm.s32 @!p1 $0x1082;
	[sflag:s4] =	ssyncset.s32 $0xFFFFF086  }
0x25: {  	[simem:s6], [sflag:s4] =	dma.local [hbm:s3], $0xF7A  }
0x26: {  	[smem:$0x3F93] =	sst s1;
	(tag) =	ssettag s2;
	_ =	strace s9  }
0x27: {  	s1 =	sld [smem:$0x3FA3]  }
0x28: {  	s2 =	sld [smem:$0x3FA4]  }
0x29: {  	s4 =	sld [smem:$0x3FA6]  }
0x2a: {  	p0 =	seq.s32 s5, $0x0;
	s5 =	sld [smem:$0x3FA7]  }
0x2b: {  	s6 =	sld [smem:$0x3FA8]  }
0x2c: {  	s7 =	sld [smem:$0x3FA9]  }
0x2d: {  	s3 =	simm.s32 $0x108;
	s8 =	sld [smem:$0x3FAA]  }
0x2e: {  	s3 =	simm.s32 @!p0 $0x1082;
	s9 =	sld [smem:$0x3FAB]  }
0x2f: {  	lr =	sadd.s32 s0, s3;
	s0 =	sld [smem:$0x3FA2]  }
0x30: {  	s3 =	sld [smem:$0x3FA5]  }
0x31: {  	[smem:$0x3FAE] =	sst s10  }
0x32: {  	s10 =	sld [smem:$0x3FAC];
	_ =	sdelay $0x3  }
0x33: {  	p0 =	seq.s32 s10, $0x1;
	s10 =	sld [smem:$0x3FAE];
	_ =	sdelay $0x3  }
0x34: {  	[smem:$0x3FAE] =	sst s10  }
0x35: {  	s10 =	sld [smem:$0x3FAD];
	_ =	sdelay $0x3  }
0x36: {  	p1 =	seq.s32 s10, $0x1;
	s10 =	sld [smem:$0x3FAE];
	_ =	sdelay $0x3  }
0x37: {  	[smem:$0x3FAE] =	sst s10  }
0x38: {  	s10 =	sld [smem:$0x3FAF]  }
0x39: {  	_ = 	snop;
	(pc) =	sbr.ind lr, $3  }
0x3a: {  	_ = 	snop  }
0x3b: {  	_ = 	snop  }
0x3c: {  	p2 =	seq.s32 s10, $0x1;
	s10 =	sld [smem:$0x3FAE]  }
0x3d: {  	_ =	shalt  }
0x3e: {  	_ =	shalt  }
0x3f: {  	_ =	shalt  }
0x40: {  	_ =	shalt  }
0x41: {  	_ =	shalt  }
0x42: {  	_ =	shalt  }
0x43: {  	_ =	shalt  }
0x44: {  	_ =	shalt  }
0x45: {  	_ =	shalt  }
0x46: {  	_ =	shalt  }
0x47: {  	_ =	shalt  }
0x48: {  	_ =	shalt  }
0x49: {  	_ =	shalt  }
0x4a: {  	_ =	shalt  }
0x4b: {  	_ =	shalt  }
0x4c: {  	_ =	shalt  }
0x4d: {  	_ =	shalt  }
0x4e: {  	_ =	shalt  }
0x4f: {  	_ =	shalt  }
0x50: {  	_ =	shalt  }
0x51: {  	_ =	shalt  }
0x52: {  	_ =	shalt  }
0x53: {  	_ =	shalt  }
0x54: {  	_ =	shalt  }
0x55: {  	_ =	shalt  }
0x56: {  	_ =	shalt  }
0x57: {  	_ =	shalt  }
0x58: {  	_ =	shalt  }
0x59: {  	_ =	shalt  }
0x5a: {  	_ =	shalt  }
0x5b: {  	_ =	shalt  }
0x5c: {  	_ =	shalt  }
0x5d: {  	_ =	shalt  }
0x5e: {  	_ =	shalt  }
0x5f: {  	_ =	shalt  }
0x60: {  	_ =	shalt  }
0x61: {  	_ =	shalt  }
0x62: {  	_ =	shalt  }
0x63: {  	_ =	shalt  }
0x64: {  	_ =	shalt  }
0x65: {  	_ =	shalt  }
0x66: {  	_ =	shalt  }
0x67: {  	_ =	shalt  }
0x68: {  	_ =	shalt  }
0x69: {  	_ =	shalt  }
0x6a: {  	_ =	shalt  }
0x6b: {  	_ =	shalt  }
0x6c: {  	_ =	shalt  }
0x6d: {  	_ =	shalt  }
0x6e: {  	_ =	shalt  }
0x6f: {  	_ =	shalt  }
0x70: {  	_ =	shalt  }
0x71: {  	_ =	shalt  }
0x72: {  	_ =	shalt  }
0x73: {  	_ =	shalt  }
0x74: {  	_ =	shalt  }
0x75: {  	_ =	shalt  }
0x76: {  	_ =	shalt  }
0x77: {  	_ =	shalt  }
0x78: {  	_ =	shalt  }
0x79: {  	_ =	shalt  }
0x7a: {  	_ =	shalt  }
0x7b: {  	_ =	shalt  }
0x7c: {  	_ =	shalt  }
0x7d: {  	_ =	shalt  }
0x7e: {  	_ =	shalt  }
0x7f: {  	_ =	shalt  }
0x80: {  	_ =	shalt  }
0x81: {  	_ =	shalt  }
0x82: {  	_ =	shalt  }
0x83: {  	_ =	shalt  }
0x84: {  	_ =	shalt  }
0x85: {  	_ =	shalt  }
0x86: {  	_ =	shalt  }
0x87: {  	_ =	shalt  }
.Lfunc_end0:
.L_simem_size_0:
called_computation.2_lowered:
.L_overlay_start_0:
0x88: {  	s2 =	sld [smem:$0x3FD9]  }
0x89: {  	s3 =	sld [smem:$0x3FFE];
	_ =	sdelay $0x1  }
0x8a: {  	s1 =	srdreg.scid  }
0x8b: {  	s0 =	sand.u32 $0x1, s1  }
0x8c: {  	s15 =	sshll.u32 s0, $0xA;
	s2 =	sadd.s32 s3, s2  }
0x8d: {  	s2 =	sadd.s32 s2, s15  }
0x8e: {  	[smem:$0x3FBA] =	sst s2  }
0x8f: {  	_ = 	snop  }
0x90: {  	s16 =	sld [smem:$0x3FD0];
	_ =	sdelay $0x2  }
0x91: {  	s4 =	simm.s32 $0xD;
	s5 =	simm.s32 $0x10;
	s2 =	sld [smem:$0x3FC3]  }
0x92: {  	[smem:s5], [sflag:s4] =	dma.local [hbm:s16], $0x1  }
0x93: {  	_ =	swait.eq [sflag:s4], $0x1  }
0x94: {  	[sflag:s4] =	ssyncset.done $0x0  }
0x95: {  	[sflag:s4] =	ssyncadd.s32 $0xFFFFFFFF  }
0x96: {  	s17 =	sld [smem:$0x10];
	(tm) =	ssettm $0x1  }
0x97: {  	s18 =	sld [smem:$0x3FFB];
	_ =	sdelay $0x3  }
0x98: {  	_ =	strace s18  }
0x99: {  	s3 =	sld [smem:$0x3FFC];
	_ =	sdelay $0x3  }
0x9a: {  	_ =	strace s3  }
0x9b: {  	s3 =	sld [smem:$0x3FFD];
	_ =	sdelay $0x3  }
0x9c: {  	_ =	strace s3  }
0x9d: {  	_ =	strace $0x8FFFFFFF  }
0x9e: {  	s19 =	sld [smem:$0x3FDB];
	_ =	sdelay $0x1  }
0x9f: {  	s20 =	simm.s32 $_scs_section_size  }
0xa0: {  	s6 =	simm.s32 $_size__tile_overlayer_lowered;
	s7 =	simm.s32 $_tile_overlayer_lowered  }
0xa1: {  	s8 =	simm.s32 $0x1BFF;
	s21 =	sshll.u32 s7, $0x1;
	s5 =	sadd.s32 s20, s19  }
0xa2: {  	s22 =	simm.s32 $0x0;
	s6 =	sshll.u32 s6, $0x1;
	s7 =	sadd.s32 s21, s5  }
0xa3: {  	[timem:s22], [sflag:s8] =	dma.local [hbm:s7], s6  }
0xa4: {  	_ =	swait.ge [sflag:s8], s6  }
0xa5: {  	s6 =	ssub.s32 $0x0, s6;
	[sflag:s8] =	ssyncset.done $0x0  }
0xa6: {  	[sflag:s8] =	ssyncadd.s32 s6;
	_ =	sdelay $0x1  }
0xa7: {  	s23 =	simm.s32 $0x1B8B  }
0xa8: {  	_ =	swait.ge [sflag:s23], $0x1  }
0xa9: {  	[sflag:s23] =	ssyncset.done $0x0  }
0xaa: {  	[sflag:s23] =	ssyncadd.s32 $0xFFFFFFFF  }
0xab: {  	s6 =	sld [smem:$0x0]  }
0xac: {  	s7 =	sand.u32 $0xFFFFFFFE, s1  }
0xad: {  	p0 =	sne.s32 s1, s7  }
0xae: {  	s7 =	sshll.u32 @p0 s7, $0xE  }
0xaf: {  	s7 =	sadd.s32 @p0 $0x11B8D, s7;
	s8 =	sshll.u32 @p0 s6, $0x11  }
0xb0: {  	s7 =	sor.u32 @p0 s8, s7  }
0xb1: {  	[sflag:s7] =	ssyncadd.remote.s32 @p0 $0x1;
	_ =	sdelay $0x1  }
0xb2: {  	s7 =	simm.s32 @p0 $0x1B8D  }
0xb3: {  	_ =	swait.eq @p0 [sflag:s7], $0x1  }
0xb4: {  	[sflag:s7] =	ssyncadd.s32 @p0 $0xFFFFFFFF  }
0xb5: {  	s8 =	sshll.u32 @!p0 s1, $0xE  }
0xb6: {  	s8 =	sor.u32 @!p0 $0x4000, s8;
	s7 =	simm.s32 @!p0 $0x1B8D  }
0xb7: {  	s6 =	sshll.u32 @!p0 s6, $0x11;
	s8 =	sadd.s32 @!p0 $0x11B8D, s8;
	_ =	swait.eq @!p0 [sflag:s7], $0x1  }
0xb8: {  	s6 =	sor.u32 @!p0 s6, s8;
	[sflag:s7] =	ssyncadd.s32 @!p0 $0xFFFFFFFF  }
0xb9: {  	s25 =	simm.s32 $0x1B8E;
	s24 =	sld [smem:$0x3FFE];
	[sflag:s6] =	ssyncadd.remote.s32 @!p0 $0x1  }
0xba: {  	s26 =	simm.s32 $execute0_lowered;
	[smem:$0x3FD2] =	sst s25  }
0xbb: {  	s7 =	sshll.u32 s26, $0x1;
	_ =	strace $0x8000004C;
	[dreg:$0x1] =	wrdreg $0xFFFFFFFF  }
0xbc: {  	s28 =	simm.s32 $_size_execute0_lowered;
	s5 =	sadd.s32 s5, s7;
	[dreg:$0x0] =	wrdreg $0x0  }
0xbd: {  	s7 =	sshll.u32 s28, $0x1;
	[dreg:$0x2] =	wrdreg s5  }
0xbe: {  	[dreg:$0x3] =	wrdreg s7  }
0xbf: {  	[dreg:$0x4] =	wrdreg $0xC0  }
0xc0: {  	_ =	task [dreg:s22], $0x5FFFF  }
0xc1: {  	[dreg:$0x1] =	wrdreg $0xFFFFFFFF  }
0xc2: {  	[dreg:$0x0] =	wrdreg $0x60  }
0xc3: {  	[dreg:$0x2] =	wrdreg s2  }
0xc4: {  	[dreg:$0x3] =	wrdreg s17  }
0xc5: {  	[dreg:$0x4] =	wrdreg s24  }
0xc6: {  	[dreg:$0x5] =	wrdreg $0xB  }
0xc7: {  	_ =	task.clear_ibuf [dreg:s22], $0x6FFFF;
	_ =	strace $0x9000004C  }
0xc8: {  	s29 =	simm.s32 $0xB;
	_ =	strace $0x8000004E  }
0xc9: {  	_ =	swait.ge [sflag:s29], $0x1  }
0xca: {  	[sflag:s29] =	ssyncadd.s32 $0xFFFFFFFF  }
0xcb: {  	_ =	strace $0x9000004E  }
0xcc: {  	_ =	sfence  }
0xcd: {  	s30 =	sld [smem:$0x0];
	_ =	sdelay $0x2  }
0xce: {  	s31 =	sshll.u32 s1, $0xD;
	s1 =	sshrl.u32 s1, $0x2  }
0xcf: {  	s4 =	sand.u32 $0x4000, s31;
	s1 =	sadd.s32 s1, s30  }
0xd0: {  	s0 =	sor.u32 s4, s0;
	s1 =	sshll.u32 s1, $0x11  }
0xd1: {  	s0 =	sor.u32 s1, s0  }
0xd2: {  	s0 =	sadd.s32 $0x8F2B, s0  }
0xd3: {  	[sflag:s0] =	ssyncadd.remote.s32 $0x1  }
0xd4: {  	_ =	sfence.sel $0xFFFF  }
0xd5: {  	[dreg:$0x0] =	wrdreg $0xFFFFFFFF;
	(pc) =	sbr.abs _section_cstart, $3  }
0xd6: {  	[dreg:$0x1] =	wrdreg $0xFFFFFFFF  }
0xd7: {  	_ =	task.clear_ibuf [dreg:s22], $0x2FFFF;
	_ =	strace $0x9FFFFFFF  }
0xd8: {  	(tm) =	ssettm $0x7FFFFFFF  }
0xd9: {  	_ =	shalt  }
tec
execute0_lowered:
.L_overlay_start_1:
0x0: {  	(tag) =	ssettag $0x1  }
0x1: {  	s2 =	rddreg [dreg:$0x0]  }
0x2: {  	s8 =	rddreg [dreg:$0x1];
	s0 =	srdreg.scid  }
0x3: {  	s11 =	rddreg [dreg:$0x2];
	s1 =	stileid.u32;
	s5 =	simm.s32 $0x1  }
0x4: {  	s6 =	simm.s32 $0x2;
	s10 =	simm.s32 $0x3;
	s13 =	simm.s32 $0x0  }
0x5: {  	s15 =	simm.s32 $0x0;
	s3 =	sshll.u32 s0, $0x8;
	s0 =	rddreg [dreg:$0x3]  }
0x6: {  	s4 =	sshll.u32 s1, $0x9;
	_ =	strace $0x8000004D;
	s3 =	sand.u32 $0x100, s3  }
0x7: {  	s14 =	simm.s32 $0x0;
	[sflag:s5] =	ssyncpa.u1 $0x0;
	s3 =	sor.u32 s4, s3  }
0x8: {  	s4 =	sadd.s32 $0x1D7800, s11;
	[sflag:s6] =	ssyncpa.u1 $0x0;
	s7 =	ssub.s32 $0x2000, s3  }
.Ltmp0:
0x9: {  	[sflag:s10] =	ssyncpa.u1 $0x0;
	s9 =	sand.u32 $0x1F00, s7;
	(pc) =	sbr.rel .LBB2_1-.Ltmp0, $4  }
0xa: {  	s31 =	sshrl.u32 s3, $0x3;
	p0 =	sne.s32 s9, $0x0;
	s9 =	simm.s32 $0x1  }
0xb: {  	s10 =	sadd.s32 $0x1DB800, s11;
	s7 =	sshrl.u32 s7, $0xD;
	s9 =	simm.s32 @!p0 $0x0  }
0xc: {  	s8 =	sadd.s32 s8, s31;
	p0 =	por $0x0, $0x0;
	s7 =	sadd.s32 s9, s7  }
0xd: {  	vm0 =	vmmov $0xffff;
	s9 =	sadd.s32 $0x1D9800, s11;
	s11 =	sadd.s32 $0x1DD800, s11;
	s12 =	sadd.s32 $0x1, s7  }
.LBB2_4:
0xe: {  	_ =	sdelay $0x3  }
0xf: {  	[tilespmem:s21], [sflag:$0x1] =	stream.indirect_vreg.gather [hbm4b:s2+s13], $0x1, v0, vm0, $0x4038;
	[tilespmem:$0x4200] =	vst v63  }
0x10: {  	s18 =	sshll.u32 s15, $0x3  }
0x11: {  	s24 =	sand.u32 $0x78, s15;
	s18 =	sand.u32 $0x7FFFFC00, s18  }
0x12: {  	_ =	swait.ge [sflag:s5], $0x2000;
	s15 =	sor.u32 s24, s18  }
0x13: {  	[sflag:s5] =	ssyncset.done $0x0;
	s15 =	sshrl.u32 s15, $0x3  }
0x14: {  	[sflag:s5] =	ssyncadd.s32 $0xFFFFE000;
	s25 =	sadd.s32 s4, s15  }
0x15: {  	[hbm:s25] =	stream.linear.scatter [tilespmem:s17], [sflag:$0x3], $0x800, $0x38;
	[tilespmem:$0x4200] =	vst v63  }
0x16: {  	s26 =	sadd.s32 $0xA00, s16;
	s28 =	sadd.s32 s15, s9  }
0x17: {  	[hbm:s28] =	stream.linear.scatter [tilespmem:s26], [sflag:$0x3], $0x800, $0x38;
	[tilespmem:$0x4200] =	vst v63  }
0x18: {  	s29 =	sadd.s32 $0x1200, s16;
	s30 =	sadd.s32 s15, s10  }
0x19: {  	[hbm:s30] =	stream.linear.scatter [tilespmem:s29], [sflag:$0x3], $0x800, $0x38;
	[tilespmem:$0x4200] =	vst v63  }
0x1a: {  	s31 =	sadd.s32 $0x1A00, s16;
	s15 =	sadd.s32 s15, s11  }
0x1b: {  	[hbm:s15] =	stream.linear.scatter [tilespmem:s31], [sflag:$0x3], $0x800, $0x38;
	[tilespmem:$0x4200] =	vst v63  }
.LBB2_5:
0x1c: {  	p2 =	sne.s32 s14, s12  }
.Ltmp1:
0x1d: {  	p1 =	slt.u32 s14, $0x2;
	(pc) =	sbr.rel @!p2 .LBB2_6-.Ltmp1, $4  }
0x1e: {  	s15 =	simm.s32 @!p1 $0x3  }
0x1f: {  	_ =	swait.ge @!p1 [sflag:s15], $0x2000  }
0x20: {  	s16 =	sadd.s32 $0x1, s14;
	p0 =	por !p0, !p0;
	[sflag:s15] =	ssyncset.done @!p1 $0x0  }
0x21: {  	s14 =	smov.u32 s16;
	[sflag:s15] =	ssyncadd.s32 @!p1 $0xFFFFE000;
	s15 =	smov.u32 s3  }
.LBB2_1:
0x22: {  	p1 =	sge.u32 s14, s7  }
0x23: {  	s16 =	sxor.u32 @!p1 $0xFFFFFFFF, s14  }
0x24: {  	s16 =	sshll.u32 @!p1 s16, $0x8  }
0x25: {  	s31 =	sadd.s32 $0xFFFFFFFF, s14;
	s17 =	simm.s32 @!p1 $0x0;
	s16 =	sand.u32 @!p1 $0x100, s16  }
0x26: {  	[tilespmem:s16], [sflag:$0x2] =	stream.linear.gather @!p1 [hbm4b:s8+s17], $0x100, $0x38;
	[tilespmem:$0x4200] =	vst v63  }
0x27: {  	p1 =	sge.u32 s31, s7  }
.Ltmp2:
0x28: {  	_ = 	snop;
	(pc) =	sbr.rel @p1 .LBB2_5-.Ltmp2, $1  }
0x29: {  	_ =	sdelay $0x3  }
0x2a: {  	s16 =	simm.s32 $0x1;
	_ =	swait.ge [sflag:s6], $0x100  }
0x2b: {  	s16 =	simm.s32 @!p0 $0x0;
	[sflag:s6] =	ssyncset.done $0x0  }
0x2c: {  	s19 =	sshll.u32 s16, $0x8;
	[sflag:s6] =	ssyncadd.s32 $0xFFFFFF00  }
0x2d: {  	v0 =	vld.msk [tilespmem:s19+$0x0 ss:$0x1], $0xffff;
	_ =	sdelay $0x4  }
0x2e: {  	vm1 =	vgt.s32 v0, $0x0  }
0x2f: {  	v0 =	vnsel vm1, $0x0, v0  }
0x30: {  	v0 =	vmin.u32 v0, $0xF423F  }
0x31: {  	v1 =	vshll.u32 v0, $0x3  }
0x32: {  	v0 =	vand.u32 $0x7F, v0;
	v1 =	vand.u32 $0x7FFC00, v1  }
0x33: {  	s22 =	sshll.u32 s14, $0xD;
	v0 =	vor.u32 v0, v1  }
0x34: {  	s18 =	simm.s32 $0x0;
	s16 =	sand.u32 $0x2000, s22  }
0x35: {  	s20 =	sand.u32 $0x400, s18;
	s17 =	sor.u32 $0x200, s16  }
0x36: {  	s21 =	sand.u32 $0x70, s18;
	(ifvalue) =	ssetifvalue $0x7FFFFFFF;
	s20 =	sadd.s32 s20, s17;
	v1 =	vor.u32 $0x80, v0  }
0x37: {  	(ifvalue) =	ssetifvalue $0x7FFFFFFF;
	s20 =	sadd.s32 s21, s20  }
0x38: {  	[tilespmem:s20], [sflag:$0x1] =	stream.indirect_vreg.gather [hbm4b:s2+s13], $0x1, v0, vm0, $0x4038;
	[tilespmem:$0x4200] =	vst v63  }
0x39: {  	v2 =	vor.u32 $0x100, v0;
	(ifvalue) =	ssetifvalue $0x7FFFFFFF  }
0x3a: {  	s21 =	sadd.s32 $0x80, s20;
	(ifvalue) =	ssetifvalue $0x7FFFFFFF  }
0x3b: {  	[tilespmem:s21], [sflag:$0x1] =	stream.indirect_vreg.gather [hbm4b:s2+s13], $0x1, v1, vm0, $0x4038;
	[tilespmem:$0x4200] =	vst v63  }
0x3c: {  	v1 =	vor.u32 $0x180, v0;
	(ifvalue) =	ssetifvalue $0x7FFFFFFF  }
0x3d: {  	s23 =	sadd.s32 $0x100, s20;
	(ifvalue) =	ssetifvalue $0x7FFFFFFF  }
0x3e: {  	[tilespmem:s23], [sflag:$0x1] =	stream.indirect_vreg.gather [hbm4b:s2+s13], $0x1, v2, vm0, $0x4038;
	[tilespmem:$0x4200] =	vst v63  }
0x3f: {  	v2 =	vor.u32 $0x200, v0;
	(ifvalue) =	ssetifvalue $0x7FFFFFFF  }
0x40: {  	s24 =	sadd.s32 $0x180, s20;
	(ifvalue) =	ssetifvalue $0x7FFFFFFF  }
0x41: {  	[tilespmem:s24], [sflag:$0x1] =	stream.indirect_vreg.gather [hbm4b:s2+s13], $0x1, v1, vm0, $0x4038;
	[tilespmem:$0x4200] =	vst v63  }
0x42: {  	(ifvalue) =	ssetifvalue $0x7FFFFFFF;
	v1 =	vor.u32 $0x280, v0  }
0x43: {  	s25 =	sadd.s32 $0x200, s20;
	(ifvalue) =	ssetifvalue $0x7FFFFFFF  }
0x44: {  	[tilespmem:s25], [sflag:$0x1] =	stream.indirect_vreg.gather [hbm4b:s2+s13], $0x1, v2, vm0, $0x4038;
	[tilespmem:$0x4200] =	vst v63  }
0x45: {  	(ifvalue) =	ssetifvalue $0x7FFFFFFF;
	v2 =	vor.u32 $0x300, v0  }
0x46: {  	s26 =	sadd.s32 $0x280, s20;
	(ifvalue) =	ssetifvalue $0x7FFFFFFF  }
0x47: {  	[tilespmem:s26], [sflag:$0x1] =	stream.indirect_vreg.gather [hbm4b:s2+s13], $0x1, v1, vm0, $0x4038;
	[tilespmem:$0x4200] =	vst v63  }
0x48: {  	(ifvalue) =	ssetifvalue $0x7FFFFFFF;
	v1 =	vor.u32 $0x380, v0  }
0x49: {  	s18 =	sor.u32 s18, s18;
	s28 =	sadd.s32 $0x300, s20;
	(ifvalue) =	ssetifvalue $0x7FFFFFFF  }
0x4a: {  	[tilespmem:s28], [sflag:$0x1] =	stream.indirect_vreg.gather [hbm4b:s2+s13], $0x1, v2, vm0, $0x4038;
	[tilespmem:$0x4200] =	vst v63  }
0x4b: {  	s18 =	sor.u32 $0x380, s18;
	(ifvalue) =	ssetifvalue $0x7FFFFFFF;
	v2 =	vadd.s32 $0x7A1400, v0  }
0x4c: {  	s18 =	sadd.s32 s18, s17;
	(ifvalue) =	ssetifvalue $0x7FFFFFFF  }
0x4d: {  	[tilespmem:s18], [sflag:$0x1] =	stream.indirect_vreg.gather [hbm4b:s2+s13], $0x1, v1, vm0, $0x4038;
	[tilespmem:$0x4200] =	vst v63  }
0x4e: {  	(ifvalue) =	ssetifvalue $0x7FFFFFFF;
	v1 =	vadd.s32 $0x7A1480, v0  }
0x4f: {  	s29 =	sadd.s32 $0x800, s20;
	(ifvalue) =	ssetifvalue $0x7FFFFFFF  }
0x50: {  	[tilespmem:s29], [sflag:$0x1] =	stream.indirect_vreg.gather [hbm4b:s2+s13], $0x1, v2, vm0, $0x4038;
	[tilespmem:$0x4200] =	vst v63  }
0x51: {  	(ifvalue) =	ssetifvalue $0x7FFFFFFF;
	v2 =	vadd.s32 $0x7A1500, v0  }
0x52: {  	s30 =	sadd.s32 $0x880, s20;
	(ifvalue) =	ssetifvalue $0x7FFFFFFF  }
0x53: {  	[tilespmem:s30], [sflag:$0x1] =	stream.indirect_vreg.gather [hbm4b:s2+s13], $0x1, v1, vm0, $0x4038;
	[tilespmem:$0x4200] =	vst v63  }
0x54: {  	(ifvalue) =	ssetifvalue $0x7FFFFFFF;
	v1 =	vadd.s32 $0x7A1580, v0  }
0x55: {  	s31 =	sadd.s32 $0x900, s20;
	(ifvalue) =	ssetifvalue $0x7FFFFFFF  }
0x56: {  	[tilespmem:s31], [sflag:$0x1] =	stream.indirect_vreg.gather [hbm4b:s2+s13], $0x1, v2, vm0, $0x4038;
	[tilespmem:$0x4200] =	vst v63  }
0x57: {  	(ifvalue) =	ssetifvalue $0x7FFFFFFF;
	v2 =	vadd.s32 $0x7A1600, v0  }
0x58: {  	s21 =	sadd.s32 $0x980, s20;
	(ifvalue) =	ssetifvalue $0x7FFFFFFF  }
0x59: {  	[tilespmem:s21], [sflag:$0x1] =	stream.indirect_vreg.gather [hbm4b:s2+s13], $0x1, v1, vm0, $0x4038;
	[tilespmem:$0x4200] =	vst v63  }
0x5a: {  	(ifvalue) =	ssetifvalue $0x7FFFFFFF;
	v1 =	vadd.s32 $0x7A1680, v0  }
0x5b: {  	s22 =	sadd.s32 $0xA00, s20;
	(ifvalue) =	ssetifvalue $0x7FFFFFFF  }
0x5c: {  	[tilespmem:s22], [sflag:$0x1] =	stream.indirect_vreg.gather [hbm4b:s2+s13], $0x1, v2, vm0, $0x4038;
	[tilespmem:$0x4200] =	vst v63  }
0x5d: {  	(ifvalue) =	ssetifvalue $0x7FFFFFFF;
	v2 =	vadd.s32 $0x7A1700, v0  }
0x5e: {  	s23 =	sadd.s32 $0xA80, s20;
	(ifvalue) =	ssetifvalue $0x7FFFFFFF  }
0x5f: {  	[tilespmem:s23], [sflag:$0x1] =	stream.indirect_vreg.gather [hbm4b:s2+s13], $0x1, v1, vm0, $0x4038;
	[tilespmem:$0x4200] =	vst v63  }
0x60: {  	(ifvalue) =	ssetifvalue $0x7FFFFFFF;
	v1 =	vadd.s32 $0x7A1780, v0  }
0x61: {  	s24 =	sadd.s32 $0xB00, s20;
	(ifvalue) =	ssetifvalue $0x7FFFFFFF  }
0x62: {  	[tilespmem:s24], [sflag:$0x1] =	stream.indirect_vreg.gather [hbm4b:s2+s13], $0x1, v2, vm0, $0x4038;
	[tilespmem:$0x4200] =	vst v63  }
0x63: {  	(ifvalue) =	ssetifvalue $0x7FFFFFFF;
	v2 =	vadd.s32 $0xF42800, v0  }
0x64: {  	s25 =	sadd.s32 $0xB80, s20;
	(ifvalue) =	ssetifvalue $0x7FFFFFFF  }
0x65: {  	[tilespmem:s25], [sflag:$0x1] =	stream.indirect_vreg.gather [hbm4b:s2+s13], $0x1, v1, vm0, $0x4038;
	[tilespmem:$0x4200] =	vst v63  }
0x66: {  	(ifvalue) =	ssetifvalue $0x7FFFFFFF;
	v1 =	vadd.s32 $0xF42880, v0  }
0x67: {  	s26 =	sadd.s32 $0x1000, s20;
	(ifvalue) =	ssetifvalue $0x7FFFFFFF  }
0x68: {  	[tilespmem:s26], [sflag:$0x1] =	stream.indirect_vreg.gather [hbm4b:s2+s13], $0x1, v2, vm0, $0x4038;
	[tilespmem:$0x4200] =	vst v63  }
0x69: {  	(ifvalue) =	ssetifvalue $0x7FFFFFFF;
	v2 =	vadd.s32 $0xF42900, v0  }
0x6a: {  	s28 =	sadd.s32 $0x1080, s20;
	(ifvalue) =	ssetifvalue $0x7FFFFFFF  }
0x6b: {  	[tilespmem:s28], [sflag:$0x1] =	stream.indirect_vreg.gather [hbm4b:s2+s13], $0x1, v1, vm0, $0x4038;
	[tilespmem:$0x4200] =	vst v63  }
0x6c: {  	(ifvalue) =	ssetifvalue $0x7FFFFFFF;
	v1 =	vadd.s32 $0xF42980, v0  }
0x6d: {  	s29 =	sadd.s32 $0x1100, s20;
	(ifvalue) =	ssetifvalue $0x7FFFFFFF  }
0x6e: {  	[tilespmem:s29], [sflag:$0x1] =	stream.indirect_vreg.gather [hbm4b:s2+s13], $0x1, v2, vm0, $0x4038;
	[tilespmem:$0x4200] =	vst v63  }
0x6f: {  	(ifvalue) =	ssetifvalue $0x7FFFFFFF;
	v2 =	vadd.s32 $0xF42A00, v0  }
0x70: {  	s30 =	sadd.s32 $0x1180, s20;
	(ifvalue) =	ssetifvalue $0x7FFFFFFF  }
0x71: {  	[tilespmem:s30], [sflag:$0x1] =	stream.indirect_vreg.gather [hbm4b:s2+s13], $0x1, v1, vm0, $0x4038;
	[tilespmem:$0x4200] =	vst v63  }
0x72: {  	(ifvalue) =	ssetifvalue $0x7FFFFFFF;
	v1 =	vadd.s32 $0xF42A80, v0  }
0x73: {  	s31 =	sadd.s32 $0x1200, s20;
	(ifvalue) =	ssetifvalue $0x7FFFFFFF  }
0x74: {  	[tilespmem:s31], [sflag:$0x1] =	stream.indirect_vreg.gather [hbm4b:s2+s13], $0x1, v2, vm0, $0x4038;
	[tilespmem:$0x4200] =	vst v63  }
0x75: {  	(ifvalue) =	ssetifvalue $0x7FFFFFFF;
	v2 =	vadd.s32 $0xF42B00, v0  }
0x76: {  	s21 =	sadd.s32 $0x1280, s20;
	(ifvalue) =	ssetifvalue $0x7FFFFFFF  }
0x77: {  	[tilespmem:s21], [sflag:$0x1] =	stream.indirect_vreg.gather [hbm4b:s2+s13], $0x1, v1, vm0, $0x4038;
	[tilespmem:$0x4200] =	vst v63  }
0x78: {  	(ifvalue) =	ssetifvalue $0x7FFFFFFF;
	v1 =	vadd.s32 $0xF42B80, v0  }
0x79: {  	s22 =	sadd.s32 $0x1300, s20;
	(ifvalue) =	ssetifvalue $0x7FFFFFFF  }
0x7a: {  	[tilespmem:s22], [sflag:$0x1] =	stream.indirect_vreg.gather [hbm4b:s2+s13], $0x1, v2, vm0, $0x4038;
	[tilespmem:$0x4200] =	vst v63  }
0x7b: {  	(ifvalue) =	ssetifvalue $0x7FFFFFFF;
	v2 =	vadd.s32 $0x16E3C00, v0  }
0x7c: {  	s23 =	sadd.s32 $0x1380, s20;
	(ifvalue) =	ssetifvalue $0x7FFFFFFF  }
0x7d: {  	[tilespmem:s23], [sflag:$0x1] =	stream.indirect_vreg.gather [hbm4b:s2+s13], $0x1, v1, vm0, $0x4038;
	[tilespmem:$0x4200] =	vst v63  }
0x7e: {  	(ifvalue) =	ssetifvalue $0x7FFFFFFF;
	v1 =	vadd.s32 $0x16E3C80, v0  }
0x7f: {  	s24 =	sadd.s32 $0x1800, s20;
	(ifvalue) =	ssetifvalue $0x7FFFFFFF  }
0x80: {  	[tilespmem:s24], [sflag:$0x1] =	stream.indirect_vreg.gather [hbm4b:s2+s13], $0x1, v2, vm0, $0x4038;
	[tilespmem:$0x4200] =	vst v63  }
0x81: {  	(ifvalue) =	ssetifvalue $0x7FFFFFFF;
	v2 =	vadd.s32 $0x16E3D00, v0  }
0x82: {  	s25 =	sadd.s32 $0x1880, s20;
	(ifvalue) =	ssetifvalue $0x7FFFFFFF  }
0x83: {  	[tilespmem:s25], [sflag:$0x1] =	stream.indirect_vreg.gather [hbm4b:s2+s13], $0x1, v1, vm0, $0x4038;
	[tilespmem:$0x4200] =	vst v63  }
0x84: {  	(ifvalue) =	ssetifvalue $0x7FFFFFFF;
	v1 =	vadd.s32 $0x16E3D80, v0  }
0x85: {  	s26 =	sadd.s32 $0x1900, s20;
	(ifvalue) =	ssetifvalue $0x7FFFFFFF  }
0x86: {  	[tilespmem:s26], [sflag:$0x1] =	stream.indirect_vreg.gather [hbm4b:s2+s13], $0x1, v2, vm0, $0x4038;
	[tilespmem:$0x4200] =	vst v63  }
0x87: {  	(ifvalue) =	ssetifvalue $0x7FFFFFFF;
	v2 =	vadd.s32 $0x16E3E00, v0  }
0x88: {  	s28 =	sadd.s32 $0x1980, s20;
	(ifvalue) =	ssetifvalue $0x7FFFFFFF  }
0x89: {  	[tilespmem:s28], [sflag:$0x1] =	stream.indirect_vreg.gather [hbm4b:s2+s13], $0x1, v1, vm0, $0x4038;
	[tilespmem:$0x4200] =	vst v63  }
0x8a: {  	(ifvalue) =	ssetifvalue $0x7FFFFFFF;
	v1 =	vadd.s32 $0x16E3E80, v0  }
0x8b: {  	s29 =	sadd.s32 $0x1A00, s20;
	(ifvalue) =	ssetifvalue $0x7FFFFFFF  }
0x8c: {  	[tilespmem:s29], [sflag:$0x1] =	stream.indirect_vreg.gather [hbm4b:s2+s13], $0x1, v2, vm0, $0x4038;
	[tilespmem:$0x4200] =	vst v63  }
0x8d: {  	(ifvalue) =	ssetifvalue $0x7FFFFFFF;
	v2 =	vadd.s32 $0x16E3F00, v0  }
0x8e: {  	s30 =	sadd.s32 $0x1A80, s20;
	(ifvalue) =	ssetifvalue $0x7FFFFFFF  }
0x8f: {  	[tilespmem:s30], [sflag:$0x1] =	stream.indirect_vreg.gather [hbm4b:s2+s13], $0x1, v1, vm0, $0x4038;
	[tilespmem:$0x4200] =	vst v63  }
0x90: {  	v0 =	vadd.s32 $0x16E3F80, v0;
	(ifvalue) =	ssetifvalue $0x7FFFFFFF  }
0x91: {  	s31 =	sadd.s32 $0x1B00, s20;
	(ifvalue) =	ssetifvalue $0x7FFFFFFF  }
0x92: {  	[tilespmem:s31], [sflag:$0x1] =	stream.indirect_vreg.gather [hbm4b:s2+s13], $0x1, v2, vm0, $0x4038;
	[tilespmem:$0x4200] =	vst v63  }
0x93: {  	s19 =	sadd.s32 $0x10, s19;
	s18 =	simm.s32 $0x10;
	(ifvalue) =	ssetifvalue $0x7FFFFFFF  }
0x94: {  	s21 =	sadd.s32 $0x1B80, s20;
	s20 =	simm.s32 $0x80;
	(ifvalue) =	ssetifvalue $0x7FFFFFFF  }
.LBB2_3:
0x95: {  	[tilespmem:s21], [sflag:$0x1] =	stream.indirect_vreg.gather [hbm4b:s2+s13], $0x1, v0, vm0, $0x4038;
	[tilespmem:$0x4200] =	vst v63  }
0x96: {  	p1 =	sne.s32 s18, $0xF0;
	s22 =	smov.u32 s18;
	s18 =	sadd.s32 $0x10, s18;
	v0 =	vld.msk [tilespmem:s19+$0x0 ss:$0x1], $0xffff  }
0x97: {  	(ifvalue) =	ssetifvalue $0x7FFFFFFF;
	_ =	sdelay $0x4  }
0x98: {  	vm1 =	vgt.s32 v0, $0x0  }
0x99: {  	v0 =	vnsel vm1, $0x0, v0  }
0x9a: {  	v0 =	vmin.u32 v0, $0xF423F  }
0x9b: {  	v1 =	vshll.u32 v0, $0x3  }
0x9c: {  	v0 =	vand.u32 $0x7F, v0;
	v1 =	vand.u32 $0x7FFC00, v1  }
0x9d: {  	v0 =	vor.u32 v0, v1;
	_ =	sdelay $0x1  }
0x9e: {  	s21 =	sand.u32 $0x400, s20  }
0x9f: {  	s23 =	sand.u32 $0x70, s22;
	s21 =	sadd.s32 s21, s17;
	v1 =	vor.u32 $0x80, v0  }
0xa0: {  	s21 =	sadd.s32 s23, s21;
	(ifvalue) =	ssetifvalue $0x7FFFFFFF  }
0xa1: {  	[tilespmem:s21], [sflag:$0x1] =	stream.indirect_vreg.gather [hbm4b:s2+s13], $0x1, v0, vm0, $0x4038;
	[tilespmem:$0x4200] =	vst v63  }
0xa2: {  	v2 =	vor.u32 $0x100, v0;
	(ifvalue) =	ssetifvalue $0x7FFFFFFF  }
0xa3: {  	s23 =	sadd.s32 $0x80, s21;
	(ifvalue) =	ssetifvalue $0x7FFFFFFF  }
0xa4: {  	[tilespmem:s23], [sflag:$0x1] =	stream.indirect_vreg.gather [hbm4b:s2+s13], $0x1, v1, vm0, $0x4038;
	[tilespmem:$0x4200] =	vst v63  }
0xa5: {  	v1 =	vor.u32 $0x180, v0;
	(ifvalue) =	ssetifvalue $0x7FFFFFFF  }
0xa6: {  	s23 =	sadd.s32 $0x100, s21;
	(ifvalue) =	ssetifvalue $0x7FFFFFFF  }
0xa7: {  	[tilespmem:s23], [sflag:$0x1] =	stream.indirect_vreg.gather [hbm4b:s2+s13], $0x1, v2, vm0, $0x4038;
	[tilespmem:$0x4200] =	vst v63  }
0xa8: {  	v2 =	vor.u32 $0x200, v0;
	(ifvalue) =	ssetifvalue $0x7FFFFFFF  }
0xa9: {  	s23 =	sadd.s32 $0x180, s21;
	(ifvalue) =	ssetifvalue $0x7FFFFFFF  }
0xaa: {  	[tilespmem:s23], [sflag:$0x1] =	stream.indirect_vreg.gather [hbm4b:s2+s13], $0x1, v1, vm0, $0x4038;
	[tilespmem:$0x4200] =	vst v63  }
0xab: {  	v1 =	vor.u32 $0x280, v0;
	(ifvalue) =	ssetifvalue $0x7FFFFFFF  }
0xac: {  	s23 =	sadd.s32 $0x200, s21;
	(ifvalue) =	ssetifvalue $0x7FFFFFFF  }
0xad: {  	[tilespmem:s23], [sflag:$0x1] =	stream.indirect_vreg.gather [hbm4b:s2+s13], $0x1, v2, vm0, $0x4038;
	[tilespmem:$0x4200] =	vst v63  }
0xae: {  	v2 =	vor.u32 $0x300, v0;
	(ifvalue) =	ssetifvalue $0x7FFFFFFF  }
0xaf: {  	s23 =	sadd.s32 $0x280, s21;
	(ifvalue) =	ssetifvalue $0x7FFFFFFF  }
0xb0: {  	[tilespmem:s23], [sflag:$0x1] =	stream.indirect_vreg.gather [hbm4b:s2+s13], $0x1, v1, vm0, $0x4038;
	[tilespmem:$0x4200] =	vst v63  }
0xb1: {  	v1 =	vor.u32 $0x380, v0;
	(ifvalue) =	ssetifvalue $0x7FFFFFFF  }
0xb2: {  	s22 =	sor.u32 s20, s22;
	s23 =	sadd.s32 $0x300, s21;
	(ifvalue) =	ssetifvalue $0x7FFFFFFF  }
0xb3: {  	[tilespmem:s23], [sflag:$0x1] =	stream.indirect_vreg.gather [hbm4b:s2+s13], $0x1, v2, vm0, $0x4038;
	[tilespmem:$0x4200] =	vst v63  }
0xb4: {  	s22 =	sor.u32 $0x380, s22;
	v2 =	vadd.s32 $0x7A1400, v0;
	(ifvalue) =	ssetifvalue $0x7FFFFFFF  }
0xb5: {  	s22 =	sadd.s32 s22, s17;
	(ifvalue) =	ssetifvalue $0x7FFFFFFF  }
0xb6: {  	[tilespmem:s22], [sflag:$0x1] =	stream.indirect_vreg.gather [hbm4b:s2+s13], $0x1, v1, vm0, $0x4038;
	[tilespmem:$0x4200] =	vst v63  }
0xb7: {  	v1 =	vadd.s32 $0x7A1480, v0;
	(ifvalue) =	ssetifvalue $0x7FFFFFFF  }
0xb8: {  	s22 =	sadd.s32 $0x800, s21;
	(ifvalue) =	ssetifvalue $0x7FFFFFFF  }
0xb9: {  	[tilespmem:s22], [sflag:$0x1] =	stream.indirect_vreg.gather [hbm4b:s2+s13], $0x1, v2, vm0, $0x4038;
	[tilespmem:$0x4200] =	vst v63  }
0xba: {  	v2 =	vadd.s32 $0x7A1500, v0;
	(ifvalue) =	ssetifvalue $0x7FFFFFFF  }
0xbb: {  	s22 =	sadd.s32 $0x880, s21;
	(ifvalue) =	ssetifvalue $0x7FFFFFFF  }
0xbc: {  	[tilespmem:s22], [sflag:$0x1] =	stream.indirect_vreg.gather [hbm4b:s2+s13], $0x1, v1, vm0, $0x4038;
	[tilespmem:$0x4200] =	vst v63  }
0xbd: {  	v1 =	vadd.s32 $0x7A1580, v0;
	(ifvalue) =	ssetifvalue $0x7FFFFFFF  }
0xbe: {  	s22 =	sadd.s32 $0x900, s21;
	(ifvalue) =	ssetifvalue $0x7FFFFFFF  }
0xbf: {  	[tilespmem:s22], [sflag:$0x1] =	stream.indirect_vreg.gather [hbm4b:s2+s13], $0x1, v2, vm0, $0x4038;
	[tilespmem:$0x4200] =	vst v63  }
0xc0: {  	v2 =	vadd.s32 $0x7A1600, v0;
	(ifvalue) =	ssetifvalue $0x7FFFFFFF  }
0xc1: {  	s22 =	sadd.s32 $0x980, s21;
	(ifvalue) =	ssetifvalue $0x7FFFFFFF  }
0xc2: {  	[tilespmem:s22], [sflag:$0x1] =	stream.indirect_vreg.gather [hbm4b:s2+s13], $0x1, v1, vm0, $0x4038;
	[tilespmem:$0x4200] =	vst v63  }
0xc3: {  	v1 =	vadd.s32 $0x7A1680, v0;
	(ifvalue) =	ssetifvalue $0x7FFFFFFF  }
0xc4: {  	s22 =	sadd.s32 $0xA00, s21;
	(ifvalue) =	ssetifvalue $0x7FFFFFFF  }
0xc5: {  	[tilespmem:s22], [sflag:$0x1] =	stream.indirect_vreg.gather [hbm4b:s2+s13], $0x1, v2, vm0, $0x4038;
	[tilespmem:$0x4200] =	vst v63  }
0xc6: {  	v2 =	vadd.s32 $0x7A1700, v0;
	(ifvalue) =	ssetifvalue $0x7FFFFFFF  }
0xc7: {  	s22 =	sadd.s32 $0xA80, s21;
	(ifvalue) =	ssetifvalue $0x7FFFFFFF  }
0xc8: {  	[tilespmem:s22], [sflag:$0x1] =	stream.indirect_vreg.gather [hbm4b:s2+s13], $0x1, v1, vm0, $0x4038;
	[tilespmem:$0x4200] =	vst v63  }
0xc9: {  	v1 =	vadd.s32 $0x7A1780, v0;
	(ifvalue) =	ssetifvalue $0x7FFFFFFF  }
0xca: {  	s22 =	sadd.s32 $0xB00, s21;
	(ifvalue) =	ssetifvalue $0x7FFFFFFF  }
0xcb: {  	[tilespmem:s22], [sflag:$0x1] =	stream.indirect_vreg.gather [hbm4b:s2+s13], $0x1, v2, vm0, $0x4038;
	[tilespmem:$0x4200] =	vst v63  }
0xcc: {  	v2 =	vadd.s32 $0xF42800, v0;
	(ifvalue) =	ssetifvalue $0x7FFFFFFF  }
0xcd: {  	s22 =	sadd.s32 $0xB80, s21;
	(ifvalue) =	ssetifvalue $0x7FFFFFFF  }
0xce: {  	[tilespmem:s22], [sflag:$0x1] =	stream.indirect_vreg.gather [hbm4b:s2+s13], $0x1, v1, vm0, $0x4038;
	[tilespmem:$0x4200] =	vst v63  }
0xcf: {  	v1 =	vadd.s32 $0xF42880, v0;
	(ifvalue) =	ssetifvalue $0x7FFFFFFF  }
0xd0: {  	s22 =	sadd.s32 $0x1000, s21;
	(ifvalue) =	ssetifvalue $0x7FFFFFFF  }
0xd1: {  	[tilespmem:s22], [sflag:$0x1] =	stream.indirect_vreg.gather [hbm4b:s2+s13], $0x1, v2, vm0, $0x4038;
	[tilespmem:$0x4200] =	vst v63  }
0xd2: {  	v2 =	vadd.s32 $0xF42900, v0;
	(ifvalue) =	ssetifvalue $0x7FFFFFFF  }
0xd3: {  	s22 =	sadd.s32 $0x1080, s21;
	(ifvalue) =	ssetifvalue $0x7FFFFFFF  }
0xd4: {  	[tilespmem:s22], [sflag:$0x1] =	stream.indirect_vreg.gather [hbm4b:s2+s13], $0x1, v1, vm0, $0x4038;
	[tilespmem:$0x4200] =	vst v63  }
0xd5: {  	v1 =	vadd.s32 $0xF42980, v0;
	(ifvalue) =	ssetifvalue $0x7FFFFFFF  }
0xd6: {  	s22 =	sadd.s32 $0x1100, s21;
	(ifvalue) =	ssetifvalue $0x7FFFFFFF  }
0xd7: {  	[tilespmem:s22], [sflag:$0x1] =	stream.indirect_vreg.gather [hbm4b:s2+s13], $0x1, v2, vm0, $0x4038;
	[tilespmem:$0x4200] =	vst v63  }
0xd8: {  	v2 =	vadd.s32 $0xF42A00, v0;
	(ifvalue) =	ssetifvalue $0x7FFFFFFF  }
0xd9: {  	s22 =	sadd.s32 $0x1180, s21;
	(ifvalue) =	ssetifvalue $0x7FFFFFFF  }
0xda: {  	[tilespmem:s22], [sflag:$0x1] =	stream.indirect_vreg.gather [hbm4b:s2+s13], $0x1, v1, vm0, $0x4038;
	[tilespmem:$0x4200] =	vst v63  }
0xdb: {  	v1 =	vadd.s32 $0xF42A80, v0;
	(ifvalue) =	ssetifvalue $0x7FFFFFFF  }
0xdc: {  	s22 =	sadd.s32 $0x1200, s21;
	(ifvalue) =	ssetifvalue $0x7FFFFFFF  }
0xdd: {  	[tilespmem:s22], [sflag:$0x1] =	stream.indirect_vreg.gather [hbm4b:s2+s13], $0x1, v2, vm0, $0x4038;
	[tilespmem:$0x4200] =	vst v63  }
0xde: {  	v2 =	vadd.s32 $0xF42B00, v0;
	(ifvalue) =	ssetifvalue $0x7FFFFFFF  }
0xdf: {  	s22 =	sadd.s32 $0x1280, s21;
	(ifvalue) =	ssetifvalue $0x7FFFFFFF  }
0xe0: {  	[tilespmem:s22], [sflag:$0x1] =	stream.indirect_vreg.gather [hbm4b:s2+s13], $0x1, v1, vm0, $0x4038;
	[tilespmem:$0x4200] =	vst v63  }
0xe1: {  	v1 =	vadd.s32 $0xF42B80, v0;
	(ifvalue) =	ssetifvalue $0x7FFFFFFF  }
0xe2: {  	s22 =	sadd.s32 $0x1300, s21;
	(ifvalue) =	ssetifvalue $0x7FFFFFFF  }
0xe3: {  	[tilespmem:s22], [sflag:$0x1] =	stream.indirect_vreg.gather [hbm4b:s2+s13], $0x1, v2, vm0, $0x4038;
	[tilespmem:$0x4200] =	vst v63  }
0xe4: {  	v2 =	vadd.s32 $0x16E3C00, v0;
	(ifvalue) =	ssetifvalue $0x7FFFFFFF  }
0xe5: {  	s22 =	sadd.s32 $0x1380, s21;
	(ifvalue) =	ssetifvalue $0x7FFFFFFF  }
0xe6: {  	[tilespmem:s22], [sflag:$0x1] =	stream.indirect_vreg.gather [hbm4b:s2+s13], $0x1, v1, vm0, $0x4038;
	[tilespmem:$0x4200] =	vst v63  }
0xe7: {  	v1 =	vadd.s32 $0x16E3C80, v0;
	(ifvalue) =	ssetifvalue $0x7FFFFFFF  }
0xe8: {  	s22 =	sadd.s32 $0x1800, s21;
	(ifvalue) =	ssetifvalue $0x7FFFFFFF  }
0xe9: {  	[tilespmem:s22], [sflag:$0x1] =	stream.indirect_vreg.gather [hbm4b:s2+s13], $0x1, v2, vm0, $0x4038;
	[tilespmem:$0x4200] =	vst v63  }
0xea: {  	v2 =	vadd.s32 $0x16E3D00, v0;
	(ifvalue) =	ssetifvalue $0x7FFFFFFF  }
0xeb: {  	s22 =	sadd.s32 $0x1880, s21;
	(ifvalue) =	ssetifvalue $0x7FFFFFFF  }
0xec: {  	[tilespmem:s22], [sflag:$0x1] =	stream.indirect_vreg.gather [hbm4b:s2+s13], $0x1, v1, vm0, $0x4038;
	[tilespmem:$0x4200] =	vst v63  }
0xed: {  	v1 =	vadd.s32 $0x16E3D80, v0;
	(ifvalue) =	ssetifvalue $0x7FFFFFFF  }
0xee: {  	s22 =	sadd.s32 $0x1900, s21;
	(ifvalue) =	ssetifvalue $0x7FFFFFFF  }
0xef: {  	[tilespmem:s22], [sflag:$0x1] =	stream.indirect_vreg.gather [hbm4b:s2+s13], $0x1, v2, vm0, $0x4038;
	[tilespmem:$0x4200] =	vst v63  }
0xf0: {  	v2 =	vadd.s32 $0x16E3E00, v0;
	(ifvalue) =	ssetifvalue $0x7FFFFFFF  }
0xf1: {  	s22 =	sadd.s32 $0x1980, s21;
	(ifvalue) =	ssetifvalue $0x7FFFFFFF  }
0xf2: {  	[tilespmem:s22], [sflag:$0x1] =	stream.indirect_vreg.gather [hbm4b:s2+s13], $0x1, v1, vm0, $0x4038;
	[tilespmem:$0x4200] =	vst v63  }
0xf3: {  	v1 =	vadd.s32 $0x16E3E80, v0;
	(ifvalue) =	ssetifvalue $0x7FFFFFFF  }
0xf4: {  	s22 =	sadd.s32 $0x1A00, s21;
	(ifvalue) =	ssetifvalue $0x7FFFFFFF  }
0xf5: {  	[tilespmem:s22], [sflag:$0x1] =	stream.indirect_vreg.gather [hbm4b:s2+s13], $0x1, v2, vm0, $0x4038;
	[tilespmem:$0x4200] =	vst v63  }
0xf6: {  	v2 =	vadd.s32 $0x16E3F00, v0;
	(ifvalue) =	ssetifvalue $0x7FFFFFFF  }
0xf7: {  	s22 =	sadd.s32 $0x1A80, s21;
	(ifvalue) =	ssetifvalue $0x7FFFFFFF  }
0xf8: {  	[tilespmem:s22], [sflag:$0x1] =	stream.indirect_vreg.gather [hbm4b:s2+s13], $0x1, v1, vm0, $0x4038;
	[tilespmem:$0x4200] =	vst v63  }
.Ltmp3:
0xf9: {  	v0 =	vadd.s32 $0x16E3F80, v0;
	(ifvalue) =	ssetifvalue $0x7FFFFFFF;
	(pc) =	sbr.rel @p1 .LBB2_3-.Ltmp3, $4  }
0xfa: {  	s22 =	sadd.s32 $0x1B00, s21;
	(ifvalue) =	ssetifvalue $0x7FFFFFFF  }
0xfb: {  	[tilespmem:s22], [sflag:$0x1] =	stream.indirect_vreg.gather [hbm4b:s2+s13], $0x1, v2, vm0, $0x4038;
	[tilespmem:$0x4200] =	vst v63  }
0xfc: {  	s19 =	sadd.s32 $0x10, s19;
	(ifvalue) =	ssetifvalue $0x7FFFFFFF  }
0xfd: {  	s20 =	sadd.s32 $0x80, s20;
	s21 =	sadd.s32 $0x1B80, s21;
	(ifvalue) =	ssetifvalue $0x7FFFFFFF  }
.Ltmp4:
0xfe: {  	_ = 	snop;
	(pc) =	sbr.rel .LBB2_4-.Ltmp4, $1  }
0xff: {  	_ =	sdelay $0x3  }
.LBB2_6:
0x100: {  	_ =	sfence.sel $0x180000  }
0x101: {  	s2 =	simm.s32 $0x2;
	[bflag:$0x0] =	sbarrier.arrive $0xFFFF  }
0x102: {  	s30 =	simm.s32 $0x3;
	[sflag:s2] =	ssyncpa.u1 $0x1  }
0x103: {  	s31 =	simm.s32 $0x1;
	[sflag:s30] =	ssyncpa.u1 $0x1  }
0x104: {  	[sflag:s31] =	ssyncpa.u1 $0x1  }
0x105: {  	p0 =	sne.s32 s1, $0x0;
	_ =	strace $0x9000004D  }
0x106: {  	s0 =	sadd.s32 @!p0 $0x100000, s0;
	[bflag:$0x2] =	sbarrier.arrive $0xFFFF  }
0x107: {  	[sflag:s0] =	ssyncadd.tile.s32 @!p0 $0x1;
	_ =	shalt  }
.Lfunc_end2:
_tile_overlayer_lowered:
.L_overlay_start_2:
0x108: {  	(tag) =	ssettag $0x2  }
0x109: {  	s0 =	rddreg [dreg:$0x0];
	s2 =	stileid.u32  }
0x10a: {  	s1 =	rddreg [dreg:$0x1];
	p0 =	sne.s32 s2, $0x0  }
0x10b: {  	s3 =	rddreg [dreg:$0x2];
	[bflag:$0x3] =	sbarrier.arrive $0xFFFF;
	s2 =	simm.s32 @!p0 $0x1C01  }
0x10c: {  	[timem:s3], [sflag:s2] =	dma.local @!p0 [hbm:s0], s1  }
0x10d: {  	s0 =	simm.s32 @!p0 $0x1  }
0x10e: {  	_ =	swait.ge @!p0 [sflag:s0], s1  }
0x10f: {  	s1 =	ssub.s32 @!p0 $0x0, s1;
	[sflag:s0] =	ssyncset.done @!p0 $0x0  }
0x110: {  	[sflag:s0] =	ssyncadd.s32 @!p0 s1  }
0x111: {  	[bflag:$0x3] =	sbarrier.arrive $0xFFFF  }
0x112: {  	_ =	shalt  }

// kernel: gather_offload_async_start.3
scs
__scs_entry_jumppad:
0x0: {  	(pc) =	sbr.rel $0x88, $3  }
0x1: {  	(tag) =	ssettag $0x0;
	lr =	simm.s32 $0x1  }
0x2: {  	[smem:$0x3F93] =	sst lr;
	_ =	strace $0xD0000000  }
0x3: {  	_ = 	snop  }
0x4: {  	_ = 	snop  }
0x5: {  	_ = 	snop  }
0x6: {  	_ = 	snop  }
0x7: {  	_ = 	snop  }
__scs_overlays_trampoline_lowered:
0x8: {  	[smem:$0x3FA2] =	sst s0  }
0x9: {  	[smem:$0x3FA3] =	sst s1  }
0xa: {  	[smem:$0x3FA4] =	sst s2  }
0xb: {  	[smem:$0x3FA5] =	sst s3  }
0xc: {  	[smem:$0x3FA6] =	sst s4  }
0xd: {  	[smem:$0x3FA7] =	sst s5  }
0xe: {  	[smem:$0x3FA8] =	sst s6  }
0xf: {  	[smem:$0x3FA9] =	sst s7  }
0x10: {  	[smem:$0x3FAA] =	sst s8  }
0x11: {  	[smem:$0x3FAB] =	sst s9;
	s0 =	simm.s32 @!p0 $0x0  }
0x12: {  	s1 =	sld [smem:$0x3F91];
	s0 =	simm.s32 @p0 $0x1  }
0x13: {  	[smem:$0x3FAC] =	sst s0;
	s0 =	simm.s32 @!p1 $0x0  }
0x14: {  	s2 =	sld [smem:$0x3F90];
	s0 =	simm.s32 @p1 $0x1  }
0x15: {  	[smem:$0x3FAD] =	sst s0;
	s0 =	simm.s32 @!p2 $0x0  }
0x16: {  	s3 =	sld [smem:$0x3FDB];
	s0 =	simm.s32 @p2 $0x1  }
0x17: {  	s4 =	simm.s32 $0x1BF5;
	[smem:$0x3FAF] =	sst s0  }
0x18: {  	s0 =	sld [smem:$0x3F92];
	_ =	swait.ge [sflag:s4], $0x0  }
0x19: {  	s7 =	sld [smem:$0x3F93]  }
0x1a: {  	s8 =	sadd.s32 $0xFFFFE003, lr  }
0x1b: {  	s9 =	sadd.s32 $0xFFFFFEF7, lr;
	s5 =	simm.s32 $0xFFFFFFFF;
	p2 =	slt.u32 s8, $0xFFFFF086  }
0x1c: {  	p1 =	slt.u32 s9, $0xF7A;
	s5 =	simm.s32 @!p2 $0x0  }
0x1d: {  	s5 =	simm.s32 @p1 $0x1;
	p0 =	seq.s32 s7, s2  }
0x1e: {  	s7 =	smul.u32 @!p0 $0xF7A, s2;
	p2 =	seq.s32 @!p0 s5, $0x0  }
0x1f: {  	s9 =	smul.u32 $0xF7A, s1;
	s8 =	simm.s32 @!p0 $0x1BF5;
	p2 =	por !p2, p0  }
0x20: {  	[sflag:s8] =	ssyncset.s32 @!p0 $0xFFFFF086;
	s6 =	sadd.s32 @!p0 s3, s7;
	s7 =	simm.s32 @!p0 $0x108  }
0x21: {  	s3 =	sadd.s32 s3, s9;
	s6 =	sadd.s32 @!p0 $0x88, s6;
	s7 =	simm.s32 @p2 $0x1082  }
0x22: {  	[simem:s7], [sflag:s8] =	dma.local @!p0 [hbm:s6], $0xF7A  }
0x23: {  	s9 =	sor.u32 $0xD0000000, s2;
	s6 =	simm.s32 $0x108;
	_ =	swait.ge @!p0 [sflag:s8], $0x0  }
0x24: {  	s3 =	sadd.s32 $0x88, s3;
	s6 =	simm.s32 @!p1 $0x1082;
	[sflag:s4] =	ssyncset.s32 $0xFFFFF086  }
0x25: {  	[simem:s6], [sflag:s4] =	dma.local [hbm:s3], $0xF7A  }
0x26: {  	[smem:$0x3F93] =	sst s1;
	(tag) =	ssettag s2;
	_ =	strace s9  }
0x27: {  	s1 =	sld [smem:$0x3FA3]  }
0x28: {  	s2 =	sld [smem:$0x3FA4]  }
0x29: {  	s4 =	sld [smem:$0x3FA6]  }
0x2a: {  	p0 =	seq.s32 s5, $0x0;
	s5 =	sld [smem:$0x3FA7]  }
0x2b: {  	s6 =	sld [smem:$0x3FA8]  }
0x2c: {  	s7 =	sld [smem:$0x3FA9]  }
0x2d: {  	s3 =	simm.s32 $0x108;
	s8 =	sld [smem:$0x3FAA]  }
0x2e: {  	s3 =	simm.s32 @!p0 $0x1082;
	s9 =	sld [smem:$0x3FAB]  }
0x2f: {  	lr =	sadd.s32 s0, s3;
	s0 =	sld [smem:$0x3FA2]  }
0x30: {  	s3 =	sld [smem:$0x3FA5]  }
0x31: {  	[smem:$0x3FAE] =	sst s10  }
0x32: {  	s10 =	sld [smem:$0x3FAC];
	_ =	sdelay $0x3  }
0x33: {  	p0 =	seq.s32 s10, $0x1;
	s10 =	sld [smem:$0x3FAE];
	_ =	sdelay $0x3  }
0x34: {  	[smem:$0x3FAE] =	sst s10  }
0x35: {  	s10 =	sld [smem:$0x3FAD];
	_ =	sdelay $0x3  }
0x36: {  	p1 =	seq.s32 s10, $0x1;
	s10 =	sld [smem:$0x3FAE];
	_ =	sdelay $0x3  }
0x37: {  	[smem:$0x3FAE] =	sst s10  }
0x38: {  	s10 =	sld [smem:$0x3FAF]  }
0x39: {  	_ = 	snop;
	(pc) =	sbr.ind lr, $3  }
0x3a: {  	_ = 	snop  }
0x3b: {  	_ = 	snop  }
0x3c: {  	p2 =	seq.s32 s10, $0x1;
	s10 =	sld [smem:$0x3FAE]  }
0x3d: {  	_ =	shalt  }
0x3e: {  	_ =	shalt  }
0x3f: {  	_ =	shalt  }
0x40: {  	_ =	shalt  }
0x41: {  	_ =	shalt  }
0x42: {  	_ =	shalt  }
0x43: {  	_ =	shalt  }
0x44: {  	_ =	shalt  }
0x45: {  	_ =	shalt  }
0x46: {  	_ =	shalt  }
0x47: {  	_ =	shalt  }
0x48: {  	_ =	shalt  }
0x49: {  	_ =	shalt  }
0x4a: {  	_ =	shalt  }
0x4b: {  	_ =	shalt  }
0x4c: {  	_ =	shalt  }
0x4d: {  	_ =	shalt  }
0x4e: {  	_ =	shalt  }
0x4f: {  	_ =	shalt  }
0x50: {  	_ =	shalt  }
0x51: {  	_ =	shalt  }
0x52: {  	_ =	shalt  }
0x53: {  	_ =	shalt  }
0x54: {  	_ =	shalt  }
0x55: {  	_ =	shalt  }
0x56: {  	_ =	shalt  }
0x57: {  	_ =	shalt  }
0x58: {  	_ =	shalt  }
0x59: {  	_ =	shalt  }
0x5a: {  	_ =	shalt  }
0x5b: {  	_ =	shalt  }
0x5c: {  	_ =	shalt  }
0x5d: {  	_ =	shalt  }
0x5e: {  	_ =	shalt  }
0x5f: {  	_ =	shalt  }
0x60: {  	_ =	shalt  }
0x61: {  	_ =	shalt  }
0x62: {  	_ =	shalt  }
0x63: {  	_ =	shalt  }
0x64: {  	_ =	shalt  }
0x65: {  	_ =	shalt  }
0x66: {  	_ =	shalt  }
0x67: {  	_ =	shalt  }
0x68: {  	_ =	shalt  }
0x69: {  	_ =	shalt  }
0x6a: {  	_ =	shalt  }
0x6b: {  	_ =	shalt  }
0x6c: {  	_ =	shalt  }
0x6d: {  	_ =	shalt  }
0x6e: {  	_ =	shalt  }
0x6f: {  	_ =	shalt  }
0x70: {  	_ =	shalt  }
0x71: {  	_ =	shalt  }
0x72: {  	_ =	shalt  }
0x73: {  	_ =	shalt  }
0x74: {  	_ =	shalt  }
0x75: {  	_ =	shalt  }
0x76: {  	_ =	shalt  }
0x77: {  	_ =	shalt  }
0x78: {  	_ =	shalt  }
0x79: {  	_ =	shalt  }
0x7a: {  	_ =	shalt  }
0x7b: {  	_ =	shalt  }
0x7c: {  	_ =	shalt  }
0x7d: {  	_ =	shalt  }
0x7e: {  	_ =	shalt  }
0x7f: {  	_ =	shalt  }
0x80: {  	_ =	shalt  }
0x81: {  	_ =	shalt  }
0x82: {  	_ =	shalt  }
0x83: {  	_ =	shalt  }
0x84: {  	_ =	shalt  }
0x85: {  	_ =	shalt  }
0x86: {  	_ =	shalt  }
0x87: {  	_ =	shalt  }
.Lfunc_end0:
.L_simem_size_0:
called_computation.3_lowered:
.L_overlay_start_0:
0x88: {  	s2 =	sld [smem:$0x3FD9]  }
0x89: {  	s3 =	sld [smem:$0x3FFE];
	_ =	sdelay $0x1  }
0x8a: {  	s1 =	srdreg.scid  }
0x8b: {  	s0 =	sand.u32 $0x1, s1  }
0x8c: {  	s17 =	sshll.u32 s0, $0xA;
	s2 =	sadd.s32 s3, s2  }
0x8d: {  	s2 =	sadd.s32 s2, s17  }
0x8e: {  	[smem:$0x3FBA] =	sst s2  }
0x8f: {  	_ = 	snop  }
0x90: {  	(tm) =	ssettm $0x1  }
0x91: {  	s18 =	sld [smem:$0x3FFB];
	_ =	sdelay $0x3  }
0x92: {  	_ =	strace s18  }
0x93: {  	s2 =	sld [smem:$0x3FFC];
	_ =	sdelay $0x3  }
0x94: {  	_ =	strace s2  }
0x95: {  	s2 =	sld [smem:$0x3FFD];
	_ =	sdelay $0x3  }
0x96: {  	_ =	strace s2  }
0x97: {  	_ =	strace $0x8FFFFFFF  }
0x98: {  	s19 =	sld [smem:$0x3FDB];
	_ =	sdelay $0x1  }
0x99: {  	s20 =	simm.s32 $_scs_section_size  }
0x9a: {  	s4 =	simm.s32 $_size__tile_overlayer_lowered;
	s5 =	simm.s32 $_tile_overlayer_lowered  }
0x9b: {  	s6 =	simm.s32 $0x1BFF;
	s21 =	sshll.u32 s5, $0x1;
	s3 =	sadd.s32 s20, s19  }
0x9c: {  	s22 =	simm.s32 $0x0;
	s4 =	sshll.u32 s4, $0x1;
	s5 =	sadd.s32 s21, s3  }
0x9d: {  	[timem:s22], [sflag:s6] =	dma.local [hbm:s5], s4  }
0x9e: {  	_ =	swait.ge [sflag:s6], s4  }
0x9f: {  	s4 =	ssub.s32 $0x0, s4;
	[sflag:s6] =	ssyncset.done $0x0  }
0xa0: {  	[sflag:s6] =	ssyncadd.s32 s4;
	_ =	sdelay $0x1  }
0xa1: {  	s23 =	simm.s32 $0x1B8B  }
0xa2: {  	_ =	swait.ge [sflag:s23], $0x1  }
0xa3: {  	[sflag:s23] =	ssyncset.done $0x0  }
0xa4: {  	[sflag:s23] =	ssyncadd.s32 $0xFFFFFFFF  }
0xa5: {  	s4 =	sld [smem:$0x0]  }
0xa6: {  	s5 =	sand.u32 $0xFFFFFFFE, s1  }
0xa7: {  	p0 =	sne.s32 s1, s5  }
0xa8: {  	s5 =	sshll.u32 @p0 s5, $0xE  }
0xa9: {  	s5 =	sadd.s32 @p0 $0x11B8D, s5;
	s6 =	sshll.u32 @p0 s4, $0x11  }
0xaa: {  	s5 =	sor.u32 @p0 s6, s5  }
0xab: {  	[sflag:s5] =	ssyncadd.remote.s32 @p0 $0x1;
	_ =	sdelay $0x1  }
0xac: {  	s5 =	simm.s32 @p0 $0x1B8D  }
0xad: {  	_ =	swait.eq @p0 [sflag:s5], $0x1  }
0xae: {  	[sflag:s5] =	ssyncadd.s32 @p0 $0xFFFFFFFF  }
0xaf: {  	s6 =	sshll.u32 @!p0 s1, $0xE  }
0xb0: {  	s6 =	sor.u32 @!p0 $0x4000, s6;
	s5 =	simm.s32 @!p0 $0x1B8D  }
0xb1: {  	s4 =	sshll.u32 @!p0 s4, $0x11;
	s6 =	sadd.s32 @!p0 $0x11B8D, s6;
	_ =	swait.eq @!p0 [sflag:s5], $0x1  }
0xb2: {  	s4 =	sor.u32 @!p0 s4, s6;
	[sflag:s5] =	ssyncadd.s32 @!p0 $0xFFFFFFFF  }
0xb3: {  	s25 =	simm.s32 $0x1B8E;
	s24 =	sld [smem:$0x3FFE];
	[sflag:s4] =	ssyncadd.remote.s32 @!p0 $0x1  }
0xb4: {  	s26 =	simm.s32 $execute0_lowered;
	[smem:$0x3FD2] =	sst s25  }
0xb5: {  	s5 =	sshll.u32 s26, $0x1;
	_ =	strace $0x8000004F;
	[dreg:$0x1] =	wrdreg $0xFFFFFFFF  }
0xb6: {  	s28 =	simm.s32 $_size_execute0_lowered;
	s3 =	sadd.s32 s3, s5;
	[dreg:$0x0] =	wrdreg $0x0  }
0xb7: {  	s5 =	sshll.u32 s28, $0x1;
	[dreg:$0x2] =	wrdreg s3  }
0xb8: {  	[dreg:$0x3] =	wrdreg s5  }
0xb9: {  	[dreg:$0x4] =	wrdreg $0xC0  }
0xba: {  	_ =	task [dreg:s22], $0x5FFFF  }
0xbb: {  	[dreg:$0x1] =	wrdreg $0xFFFFFFFF  }
0xbc: {  	[dreg:$0x0] =	wrdreg $0x60  }
0xbd: {  	[dreg:$0x2] =	wrdreg s24  }
0xbe: {  	[dreg:$0x3] =	wrdreg $0xC  }
0xbf: {  	_ =	task.clear_ibuf [dreg:s22], $0x4FFFF;
	_ =	strace $0x9000004F  }
0xc0: {  	s29 =	simm.s32 $0xC;
	_ =	strace $0x80000051  }
0xc1: {  	_ =	swait.ge [sflag:s29], $0x1  }
0xc2: {  	[sflag:s29] =	ssyncadd.s32 $0xFFFFFFFF  }
0xc3: {  	_ =	strace $0x90000051  }
0xc4: {  	_ =	sfence  }
0xc5: {  	s30 =	sld [smem:$0x0];
	_ =	sdelay $0x2  }
0xc6: {  	s31 =	sshll.u32 s1, $0xD;
	s1 =	sshrl.u32 s1, $0x2  }
0xc7: {  	s4 =	sand.u32 $0x4000, s31;
	s1 =	sadd.s32 s1, s30  }
0xc8: {  	s0 =	sor.u32 s4, s0;
	s1 =	sshll.u32 s1, $0x11  }
0xc9: {  	s0 =	sor.u32 s1, s0  }
0xca: {  	s0 =	sadd.s32 $0x8F2B, s0  }
0xcb: {  	[sflag:s0] =	ssyncadd.remote.s32 $0x1  }
0xcc: {  	_ =	sfence.sel $0xFFFF  }
0xcd: {  	[dreg:$0x0] =	wrdreg $0xFFFFFFFF;
	(pc) =	sbr.abs _section_cstart, $3  }
0xce: {  	[dreg:$0x1] =	wrdreg $0xFFFFFFFF  }
0xcf: {  	_ =	task.clear_ibuf [dreg:s22], $0x2FFFF;
	_ =	strace $0x9FFFFFFF  }
0xd0: {  	(tm) =	ssettm $0x7FFFFFFF  }
0xd1: {  	_ =	shalt  }
tec
execute0_lowered:
.L_overlay_start_1:
0x0: {  	(tag) =	ssettag $0x1  }
0x1: {  	s7 =	rddreg [dreg:$0x0]  }
0x2: {  	s0 =	rddreg [dreg:$0x1];
	_ =	strace $0x80000050  }
0x3: {  	s1 =	srdreg.scid;
	s4 =	simm.s32 $0x1;
	s9 =	simm.s32 $0x3  }
0x4: {  	s12 =	simm.s32 $0x0;
	s10 =	simm.s32 $0x0;
	s5 =	sshll.u32 s1, $0x4  }
.Ltmp0:
0x5: {  	s1 =	stileid.u32;
	s5 =	sand.u32 $0x10, s5;
	(pc) =	sbr.rel .LBB2_1-.Ltmp0, $4  }
0x6: {  	s2 =	sadd.s32 $0x3A00, s7;
	s3 =	sadd.s32 $0x197000, s7;
	s6 =	sor.u32 s1, s5  }
0x7: {  	[sflag:s4] =	ssyncpa.u1 $0x0;
	s5 =	simm.s32 $0x2;
	s6 =	sshll.u32 s6, $0x8  }
0x8: {  	s7 =	sadd.s32 $0x1FF800, s7;
	[sflag:s5] =	ssyncpa.u1 $0x0;
	s8 =	sadd.s32 $0x100, s6  }
0x9: {  	vm0 =	vmmov $0xff;
	vm1 =	vcmask $0x3F20;
	[sflag:s9] =	ssyncpa.u1 $0x0;
	s9 =	simm.s32 $0x100;
	s11 =	smov.u32 s6  }
.LBB2_9:
0xa: {  	p0 =	seq.s32 s10, $0x2  }
.Ltmp1:
0xb: {  	_ = 	snop;
	(pc) =	sbr.rel @p0 .LBB2_11-.Ltmp1, $1  }
0xc: {  	_ =	sdelay $0x3  }
.LBB2_10:
0xd: {  	s12 =	sadd.s32 $0x100, s11  }
0xe: {  	s13 =	smov.u32 s6;
	p0 =	slt.s32 s12, s8  }
0xf: {  	s13 =	smov.u32 @p0 s12  }
0x10: {  	s10 =	sadd.s32 $0x1, s10;
	s12 =	smov.u32 s11;
	s11 =	smov.u32 s13  }
.LBB2_1:
0x11: {  	p0 =	sne.s32 s10, $0x0  }
.Ltmp2:
0x12: {  	_ = 	snop;
	(pc) =	sbr.rel @!p0 .LBB2_2-.Ltmp2, $1  }
0x13: {  	_ =	sdelay $0x3  }
0x14: {  	s13 =	sand.u32 $0x1, s10  }
0x15: {  	p0 =	seq.s32 s13, $0x0  }
.Ltmp3:
0x16: {  	_ = 	snop;
	(pc) =	sbr.rel @p0 .LBB2_9-.Ltmp3, $1  }
0x17: {  	_ =	sdelay $0x3  }
0x18: {  	_ =	swait.ge [sflag:s5], $0x100  }
0x19: {  	[sflag:s5] =	ssyncset.done $0x0  }
0x1a: {  	s13 =	simm.s32 $0x0;
	[sflag:s5] =	ssyncadd.s32 $0xFFFFFF00  }
0x1b: {  	v0 =	vld.msk [tilespmem:s13+$0x100 ss:$0x1], $0xffff;
	_ =	sdelay $0x4  }
0x1c: {  	vm2 =	vgt.s32 v0, $0x0  }
0x1d: {  	v0 =	vnsel vm2, $0x0, v0  }
0x1e: {  	v0 =	vmin.u32 v0, $0x1869F  }
0x1f: {  	v0 =	vshll.u32 v0, $0x4;
	_ =	sdelay $0x3  }
0x20: {  	s13 =	simm.s32 $0x8200  }
0x21: {  	[tilespmem:s13], [sflag:$0x1] =	stream.indirect_vreg.gather [hbm:s2], $0x80, v0, vm0, $0x38;
	[tilespmem:$0x10200] =	vst v63  }
0x22: {  	s14 =	simm.s32 $0x8600;
	s31 =	simm.s32 $0x10  }
0x23: {  	[tilespmem:s14], [sflag:$0x1] =	stream.indirect_vreg.gather [hbm:s2], $0x80, v0, vm1, $0x38;
	[tilespmem:$0x10200] =	vst v63  }
0x24: {  	s14 =	simm.s32 $0x80;
	v0 =	vld.msk [tilespmem:s31+$0x100 ss:$0x1], $0xffff  }
.LBB2_5:
0x25: {  	p0 =	sne.s32 s14, $0x3C0;
	_ =	sdelay $0x4  }
0x26: {  	vm2 =	vgt.s32 v0, $0x0  }
0x27: {  	v0 =	vnsel vm2, $0x0, v0  }
0x28: {  	v0 =	vmin.u32 v0, $0x1869F  }
0x29: {  	v0 =	vshll.u32 v0, $0x4;
	_ =	sdelay $0x3  }
.Ltmp4:
0x2a: {  	s13 =	sadd.s32 $0x800, s13;
	(pc) =	sbr.rel @p0 .LBB2_5-.Ltmp4, $4  }
0x2b: {  	[tilespmem:s13], [sflag:$0x1] =	stream.indirect_vreg.gather [hbm:s2], $0x80, v0, vm0, $0x38;
	[tilespmem:$0x10200] =	vst v63  }
0x2c: {  	s15 =	sshra.s32 s14, $0x2;
	s16 =	sadd.s32 $0x400, s13  }
0x2d: {  	[tilespmem:s16], [sflag:$0x1] =	stream.indirect_vreg.gather [hbm:s2], $0x80, v0, vm1, $0x38;
	[tilespmem:$0x10200] =	vst v63  }
0x2e: {  	s14 =	sadd.s32 $0x40, s14;
	v0 =	vld.msk [tilespmem:s15+$0x100 ss:$0x1], $0xffff  }
0x2f: {  	_ =	sdelay $0x3  }
0x30: {  	vm2 =	vgt.s32 v0, $0x0  }
0x31: {  	v0 =	vnsel vm2, $0x0, v0  }
0x32: {  	v0 =	vmin.u32 v0, $0x1869F  }
0x33: {  	v0 =	vshll.u32 v0, $0x4;
	_ =	sdelay $0x3  }
0x34: {  	s13 =	sadd.s32 $0x800, s13  }
0x35: {  	[tilespmem:s13], [sflag:$0x1] =	stream.indirect_vreg.gather [hbm:s2], $0x80, v0, vm0, $0x38;
	[tilespmem:$0x10200] =	vst v63  }
0x36: {  	s13 =	sadd.s32 $0x400, s13  }
0x37: {  	[tilespmem:s13], [sflag:$0x1] =	stream.indirect_vreg.gather [hbm:s2], $0x80, v0, vm1, $0x38;
	[tilespmem:$0x10200] =	vst v63  }
0x38: {  	s12 =	sshll.u32 s12, $0x4;
	s14 =	simm.s32 $0x80;
	_ =	swait.ge [sflag:s4], $0x8000  }
0x39: {  	s15 =	simm.s32 $0x8600;
	s12 =	sadd.s32 s12, s7;
	[sflag:s4] =	ssyncset.done $0x0  }
0x3a: {  	s16 =	sadd.s32 $0x0, s12;
	s13 =	simm.s32 $0x8200;
	[sflag:s4] =	ssyncadd.s32 $0xFFFF8000  }
.LBB2_7:
0x3b: {  	[hbm:s16] =	stream.linear.scatter [tilespmem:s13], [sflag:$0x3], $0x400, $0x38;
	[tilespmem:$0x10200] =	vst v63  }
0x3c: {  	s16 =	smov.u32 s14;
	s13 =	smov.u32 s15;
	p0 =	sne.s32 s14, $0xF80  }
.Ltmp5:
0x3d: {  	s14 =	sadd.s32 $0x80, s14;
	(pc) =	sbr.rel @p0 .LBB2_7-.Ltmp5, $2  }
0x3e: {  	_ =	sdelay $0x2  }
0x3f: {  	s15 =	sadd.s32 $0x400, s15;
	s16 =	sadd.s32 s16, s12  }
.Ltmp6:
0x40: {  	(pc) =	sbr.rel .LBB2_9-.Ltmp6, $2  }
0x41: {  	_ =	sdelay $0x2  }
0x42: {  	[hbm:s16] =	stream.linear.scatter [tilespmem:s13], [sflag:$0x3], $0x400, $0x38;
	[tilespmem:$0x10200] =	vst v63  }
.LBB2_2:
.Ltmp7:
0x43: {  	(pc) =	sbr.rel .LBB2_10-.Ltmp7, $4  }
0x44: {  	_ = 	snop  }
0x45: {  	s12 =	sshrl.u32 s11, $0x3  }
0x46: {  	s13 =	sand.u32 $0x7, s11;
	s12 =	sadd.s32 s3, s12  }
0x47: {  	[tilespmem:s9], [sflag:$0x2] =	stream.linear.gather [hbm4b:s12+s13], $0x100, $0x38;
	[tilespmem:$0x10200] =	vst v63  }
.LBB2_11:
0x48: {  	s2 =	simm.s32 $0x3  }
0x49: {  	_ =	swait.ge [sflag:s2], $0x8000  }
0x4a: {  	[sflag:s2] =	ssyncset.done $0x0  }
0x4b: {  	[sflag:s2] =	ssyncadd.s32 $0xFFFF8000  }
0x4c: {  	_ =	sfence.sel $0x180000  }
0x4d: {  	s3 =	simm.s32 $0x2;
	[bflag:$0x0] =	sbarrier.arrive $0xFFFF  }
0x4e: {  	[sflag:s3] =	ssyncpa.u1 $0x1  }
0x4f: {  	s31 =	simm.s32 $0x1;
	[sflag:s2] =	ssyncpa.u1 $0x1  }
0x50: {  	[sflag:s31] =	ssyncpa.u1 $0x1  }
0x51: {  	p0 =	sne.s32 s1, $0x0;
	_ =	strace $0x90000050  }
0x52: {  	s0 =	sadd.s32 @!p0 $0x100000, s0;
	[bflag:$0x2] =	sbarrier.arrive $0xFFFF  }
0x53: {  	[sflag:s0] =	ssyncadd.tile.s32 @!p0 $0x1;
	_ =	shalt  }
.Lfunc_end2:
_tile_overlayer_lowered:
.L_overlay_start_2:
0x54: {  	(tag) =	ssettag $0x2  }
0x55: {  	s0 =	rddreg [dreg:$0x0];
	s2 =	stileid.u32  }
0x56: {  	s1 =	rddreg [dreg:$0x1];
	p0 =	sne.s32 s2, $0x0  }
0x57: {  	s3 =	rddreg [dreg:$0x2];
	[bflag:$0x3] =	sbarrier.arrive $0xFFFF;
	s2 =	simm.s32 @!p0 $0x1C01  }
0x58: {  	[timem:s3], [sflag:s2] =	dma.local @!p0 [hbm:s0], s1  }
0x59: {  	s0 =	simm.s32 @!p0 $0x1  }
0x5a: {  	_ =	swait.ge @!p0 [sflag:s0], s1  }
0x5b: {  	s1 =	ssub.s32 @!p0 $0x0, s1;
	[sflag:s0] =	ssyncset.done @!p0 $0x0  }
0x5c: {  	[sflag:s0] =	ssyncadd.s32 @!p0 s1  }
0x5d: {  	[bflag:$0x3] =	sbarrier.arrive $0xFFFF  }
0x5e: {  	_ =	shalt  }

// kernel: gather_offload_async_start
scs
__scs_entry_jumppad:
0x0: {  	(pc) =	sbr.rel $0x88, $3  }
0x1: {  	(tag) =	ssettag $0x0;
	lr =	simm.s32 $0x1  }
0x2: {  	[smem:$0x3F93] =	sst lr;
	_ =	strace $0xD0000000  }
0x3: {  	_ = 	snop  }
0x4: {  	_ = 	snop  }
0x5: {  	_ = 	snop  }
0x6: {  	_ = 	snop  }
0x7: {  	_ = 	snop  }
__scs_overlays_trampoline_lowered:
0x8: {  	[smem:$0x3FA2] =	sst s0  }
0x9: {  	[smem:$0x3FA3] =	sst s1  }
0xa: {  	[smem:$0x3FA4] =	sst s2  }
0xb: {  	[smem:$0x3FA5] =	sst s3  }
0xc: {  	[smem:$0x3FA6] =	sst s4  }
0xd: {  	[smem:$0x3FA7] =	sst s5  }
0xe: {  	[smem:$0x3FA8] =	sst s6  }
0xf: {  	[smem:$0x3FA9] =	sst s7  }
0x10: {  	[smem:$0x3FAA] =	sst s8  }
0x11: {  	[smem:$0x3FAB] =	sst s9;
	s0 =	simm.s32 @!p0 $0x0  }
0x12: {  	s1 =	sld [smem:$0x3F91];
	s0 =	simm.s32 @p0 $0x1  }
0x13: {  	[smem:$0x3FAC] =	sst s0;
	s0 =	simm.s32 @!p1 $0x0  }
0x14: {  	s2 =	sld [smem:$0x3F90];
	s0 =	simm.s32 @p1 $0x1  }
0x15: {  	[smem:$0x3FAD] =	sst s0;
	s0 =	simm.s32 @!p2 $0x0  }
0x16: {  	s3 =	sld [smem:$0x3FDB];
	s0 =	simm.s32 @p2 $0x1  }
0x17: {  	s4 =	simm.s32 $0x1BF5;
	[smem:$0x3FAF] =	sst s0  }
0x18: {  	s0 =	sld [smem:$0x3F92];
	_ =	swait.ge [sflag:s4], $0x0  }
0x19: {  	s7 =	sld [smem:$0x3F93]  }
0x1a: {  	s8 =	sadd.s32 $0xFFFFE003, lr  }
0x1b: {  	s9 =	sadd.s32 $0xFFFFFEF7, lr;
	s5 =	simm.s32 $0xFFFFFFFF;
	p2 =	slt.u32 s8, $0xFFFFF086  }
0x1c: {  	p1 =	slt.u32 s9, $0xF7A;
	s5 =	simm.s32 @!p2 $0x0  }
0x1d: {  	s5 =	simm.s32 @p1 $0x1;
	p0 =	seq.s32 s7, s2  }
0x1e: {  	s7 =	smul.u32 @!p0 $0xF7A, s2;
	p2 =	seq.s32 @!p0 s5, $0x0  }
0x1f: {  	s9 =	smul.u32 $0xF7A, s1;
	s8 =	simm.s32 @!p0 $0x1BF5;
	p2 =	por !p2, p0  }
0x20: {  	[sflag:s8] =	ssyncset.s32 @!p0 $0xFFFFF086;
	s6 =	sadd.s32 @!p0 s3, s7;
	s7 =	simm.s32 @!p0 $0x108  }
0x21: {  	s3 =	sadd.s32 s3, s9;
	s6 =	sadd.s32 @!p0 $0x88, s6;
	s7 =	simm.s32 @p2 $0x1082  }
0x22: {  	[simem:s7], [sflag:s8] =	dma.local @!p0 [hbm:s6], $0xF7A  }
0x23: {  	s9 =	sor.u32 $0xD0000000, s2;
	s6 =	simm.s32 $0x108;
	_ =	swait.ge @!p0 [sflag:s8], $0x0  }
0x24: {  	s3 =	sadd.s32 $0x88, s3;
	s6 =	simm.s32 @!p1 $0x1082;
	[sflag:s4] =	ssyncset.s32 $0xFFFFF086  }
0x25: {  	[simem:s6], [sflag:s4] =	dma.local [hbm:s3], $0xF7A  }
0x26: {  	[smem:$0x3F93] =	sst s1;
	(tag) =	ssettag s2;
	_ =	strace s9  }
0x27: {  	s1 =	sld [smem:$0x3FA3]  }
0x28: {  	s2 =	sld [smem:$0x3FA4]  }
0x29: {  	s4 =	sld [smem:$0x3FA6]  }
0x2a: {  	p0 =	seq.s32 s5, $0x0;
	s5 =	sld [smem:$0x3FA7]  }
0x2b: {  	s6 =	sld [smem:$0x3FA8]  }
0x2c: {  	s7 =	sld [smem:$0x3FA9]  }
0x2d: {  	s3 =	simm.s32 $0x108;
	s8 =	sld [smem:$0x3FAA]  }
0x2e: {  	s3 =	simm.s32 @!p0 $0x1082;
	s9 =	sld [smem:$0x3FAB]  }
0x2f: {  	lr =	sadd.s32 s0, s3;
	s0 =	sld [smem:$0x3FA2]  }
0x30: {  	s3 =	sld [smem:$0x3FA5]  }
0x31: {  	[smem:$0x3FAE] =	sst s10  }
0x32: {  	s10 =	sld [smem:$0x3FAC];
	_ =	sdelay $0x3  }
0x33: {  	p0 =	seq.s32 s10, $0x1;
	s10 =	sld [smem:$0x3FAE];
	_ =	sdelay $0x3  }
0x34: {  	[smem:$0x3FAE] =	sst s10  }
0x35: {  	s10 =	sld [smem:$0x3FAD];
	_ =	sdelay $0x3  }
0x36: {  	p1 =	seq.s32 s10, $0x1;
	s10 =	sld [smem:$0x3FAE];
	_ =	sdelay $0x3  }
0x37: {  	[smem:$0x3FAE] =	sst s10  }
0x38: {  	s10 =	sld [smem:$0x3FAF]  }
0x39: {  	_ = 	snop;
	(pc) =	sbr.ind lr, $3  }
0x3a: {  	_ = 	snop  }
0x3b: {  	_ = 	snop  }
0x3c: {  	p2 =	seq.s32 s10, $0x1;
	s10 =	sld [smem:$0x3FAE]  }
0x3d: {  	_ =	shalt  }
0x3e: {  	_ =	shalt  }
0x3f: {  	_ =	shalt  }
0x40: {  	_ =	shalt  }
0x41: {  	_ =	shalt  }
0x42: {  	_ =	shalt  }
0x43: {  	_ =	shalt  }
0x44: {  	_ =	shalt  }
0x45: {  	_ =	shalt  }
0x46: {  	_ =	shalt  }
0x47: {  	_ =	shalt  }
0x48: {  	_ =	shalt  }
0x49: {  	_ =	shalt  }
0x4a: {  	_ =	shalt  }
0x4b: {  	_ =	shalt  }
0x4c: {  	_ =	shalt  }
0x4d: {  	_ =	shalt  }
0x4e: {  	_ =	shalt  }
0x4f: {  	_ =	shalt  }
0x50: {  	_ =	shalt  }
0x51: {  	_ =	shalt  }
0x52: {  	_ =	shalt  }
0x53: {  	_ =	shalt  }
0x54: {  	_ =	shalt  }
0x55: {  	_ =	shalt  }
0x56: {  	_ =	shalt  }
0x57: {  	_ =	shalt  }
0x58: {  	_ =	shalt  }
0x59: {  	_ =	shalt  }
0x5a: {  	_ =	shalt  }
0x5b: {  	_ =	shalt  }
0x5c: {  	_ =	shalt  }
0x5d: {  	_ =	shalt  }
0x5e: {  	_ =	shalt  }
0x5f: {  	_ =	shalt  }
0x60: {  	_ =	shalt  }
0x61: {  	_ =	shalt  }
0x62: {  	_ =	shalt  }
0x63: {  	_ =	shalt  }
0x64: {  	_ =	shalt  }
0x65: {  	_ =	shalt  }
0x66: {  	_ =	shalt  }
0x67: {  	_ =	shalt  }
0x68: {  	_ =	shalt  }
0x69: {  	_ =	shalt  }
0x6a: {  	_ =	shalt  }
0x6b: {  	_ =	shalt  }
0x6c: {  	_ =	shalt  }
0x6d: {  	_ =	shalt  }
0x6e: {  	_ =	shalt  }
0x6f: {  	_ =	shalt  }
0x70: {  	_ =	shalt  }
0x71: {  	_ =	shalt  }
0x72: {  	_ =	shalt  }
0x73: {  	_ =	shalt  }
0x74: {  	_ =	shalt  }
0x75: {  	_ =	shalt  }
0x76: {  	_ =	shalt  }
0x77: {  	_ =	shalt  }
0x78: {  	_ =	shalt  }
0x79: {  	_ =	shalt  }
0x7a: {  	_ =	shalt  }
0x7b: {  	_ =	shalt  }
0x7c: {  	_ =	shalt  }
0x7d: {  	_ =	shalt  }
0x7e: {  	_ =	shalt  }
0x7f: {  	_ =	shalt  }
0x80: {  	_ =	shalt  }
0x81: {  	_ =	shalt  }
0x82: {  	_ =	shalt  }
0x83: {  	_ =	shalt  }
0x84: {  	_ =	shalt  }
0x85: {  	_ =	shalt  }
0x86: {  	_ =	shalt  }
0x87: {  	_ =	shalt  }
.Lfunc_end0:
.L_simem_size_0:
called_computation_lowered:
.L_overlay_start_0:
0x88: {  	s2 =	sld [smem:$0x3FD9]  }
0x89: {  	s3 =	sld [smem:$0x3FFE];
	_ =	sdelay $0x1  }
0x8a: {  	s1 =	srdreg.scid  }
0x8b: {  	s0 =	sand.u32 $0x1, s1  }
0x8c: {  	s14 =	sshll.u32 s0, $0xA;
	s2 =	sadd.s32 s3, s2  }
0x8d: {  	s2 =	sadd.s32 s2, s14  }
0x8e: {  	[smem:$0x3FBA] =	sst s2  }
0x8f: {  	_ = 	snop  }
0x90: {  	s2 =	sld [smem:$0x3FD0];
	_ =	sdelay $0x2  }
0x91: {  	s4 =	simm.s32 $0xD;
	s5 =	simm.s32 $0x10;
	s15 =	sld [smem:$0x3FC3]  }
0x92: {  	[smem:s5], [sflag:s4] =	dma.local [hbm:s2], $0x1  }
0x93: {  	_ =	swait.eq [sflag:s4], $0x1  }
0x94: {  	[sflag:s4] =	ssyncset.done $0x0  }
0x95: {  	[sflag:s4] =	ssyncadd.s32 $0xFFFFFFFF  }
0x96: {  	s16 =	sld [smem:$0x11];
	(tm) =	ssettm $0x1  }
0x97: {  	s17 =	sld [smem:$0x3FFB];
	_ =	sdelay $0x3  }
0x98: {  	_ =	strace s17  }
0x99: {  	s4 =	sld [smem:$0x3FFC];
	_ =	sdelay $0x3  }
0x9a: {  	_ =	strace s4  }
0x9b: {  	s4 =	sld [smem:$0x3FFD];
	_ =	sdelay $0x3  }
0x9c: {  	_ =	strace s4  }
0x9d: {  	_ =	strace $0x8FFFFFFF  }
0x9e: {  	s18 =	sld [smem:$0x3FDB];
	_ =	sdelay $0x1  }
0x9f: {  	s19 =	simm.s32 $_scs_section_size  }
0xa0: {  	s6 =	simm.s32 $_size__tile_overlayer_lowered;
	s7 =	simm.s32 $_tile_overlayer_lowered  }
0xa1: {  	s22 =	simm.s32 $0x1BFF;
	s21 =	sshll.u32 s7, $0x1;
	s4 =	sadd.s32 s19, s18  }
0xa2: {  	s8 =	simm.s32 $0x0;
	s20 =	sshll.u32 s6, $0x1;
	s6 =	sadd.s32 s21, s4  }
0xa3: {  	[timem:s8], [sflag:s22] =	dma.local [hbm:s6], s20  }
0xa4: {  	_ =	swait.ge [sflag:s22], s20  }
0xa5: {  	s5 =	ssub.s32 $0x0, s20;
	[sflag:s22] =	ssyncset.done $0x0  }
0xa6: {  	[sflag:s22] =	ssyncadd.s32 s5;
	_ =	sdelay $0x1  }
0xa7: {  	s23 =	simm.s32 $0x1B8B  }
0xa8: {  	_ =	swait.ge [sflag:s23], $0x1  }
0xa9: {  	[sflag:s23] =	ssyncset.done $0x0  }
0xaa: {  	s25 =	simm.s32 $0x1B8E;
	s24 =	sld [smem:$0x3FFE];
	[sflag:s23] =	ssyncadd.s32 $0xFFFFFFFF  }
0xab: {  	s26 =	simm.s32 $execute0_lowered;
	[smem:$0x3FD2] =	sst s25  }
0xac: {  	s6 =	sshll.u32 s26, $0x1;
	_ =	strace $0x80000046;
	[dreg:$0x1] =	wrdreg $0xFFFFFFFF  }
0xad: {  	s28 =	simm.s32 $_size_execute0_lowered;
	s4 =	sadd.s32 s4, s6;
	[dreg:$0x0] =	wrdreg $0x0  }
0xae: {  	s6 =	sshll.u32 s28, $0x1;
	[dreg:$0x2] =	wrdreg s4  }
0xaf: {  	[dreg:$0x3] =	wrdreg s6  }
0xb0: {  	[dreg:$0x4] =	wrdreg $0xC0  }
0xb1: {  	_ =	task [dreg:s8], $0x5FFFF  }
0xb2: {  	[dreg:$0x1] =	wrdreg $0xFFFFFFFF  }
0xb3: {  	[dreg:$0x0] =	wrdreg $0x60  }
0xb4: {  	[dreg:$0x2] =	wrdreg s15  }
0xb5: {  	[dreg:$0x3] =	wrdreg s16  }
0xb6: {  	[dreg:$0x4] =	wrdreg s24  }
0xb7: {  	[dreg:$0x5] =	wrdreg $0x9  }
0xb8: {  	_ =	task.clear_ibuf [dreg:s8], $0x6FFFF;
	_ =	strace $0x90000046  }
0xb9: {  	s29 =	simm.s32 $0x9;
	_ =	strace $0x80000048  }
0xba: {  	_ =	swait.ge [sflag:s29], $0x1  }
0xbb: {  	[sflag:s29] =	ssyncadd.s32 $0xFFFFFFFF  }
0xbc: {  	_ =	strace $0x90000048  }
0xbd: {  	_ =	sfence  }
0xbe: {  	s30 =	sld [smem:$0x0];
	_ =	sdelay $0x2  }
0xbf: {  	s31 =	sshll.u32 s1, $0xD;
	s1 =	sshrl.u32 s1, $0x2  }
0xc0: {  	s3 =	sand.u32 $0x4000, s31;
	s1 =	sadd.s32 s1, s30  }
0xc1: {  	s0 =	sor.u32 s3, s0;
	s1 =	sshll.u32 s1, $0x11  }
0xc2: {  	s0 =	sor.u32 s1, s0  }
0xc3: {  	s0 =	sadd.s32 $0x8F2B, s0  }
0xc4: {  	[sflag:s0] =	ssyncadd.remote.s32 $0x1  }
0xc5: {  	_ =	sfence.sel $0xFFFF  }
0xc6: {  	[dreg:$0x0] =	wrdreg $0xFFFFFFFF;
	(pc) =	sbr.abs _section_cstart, $3  }
0xc7: {  	[dreg:$0x1] =	wrdreg $0xFFFFFFFF  }
0xc8: {  	_ =	task.clear_ibuf [dreg:s8], $0x2FFFF;
	_ =	strace $0x9FFFFFFF  }
0xc9: {  	(tm) =	ssettm $0x7FFFFFFF  }
tec
execute0_lowered:
.L_overlay_start_1:
0x0: {  	(tag) =	ssettag $0x1  }
0x1: {  	s2 =	rddreg [dreg:$0x0]  }
0x2: {  	s8 =	rddreg [dreg:$0x1];
	s0 =	srdreg.scid  }
0x3: {  	s11 =	rddreg [dreg:$0x2];
	s1 =	stileid.u32;
	s5 =	simm.s32 $0x1  }
0x4: {  	s6 =	simm.s32 $0x2;
	s10 =	simm.s32 $0x3;
	s13 =	simm.s32 $0x0  }
0x5: {  	s15 =	simm.s32 $0x0;
	s3 =	sshll.u32 s0, $0x8;
	s0 =	rddreg [dreg:$0x3]  }
0x6: {  	s4 =	sshll.u32 s1, $0x9;
	_ =	strace $0x80000047;
	s3 =	sand.u32 $0x100, s3  }
0x7: {  	s14 =	simm.s32 $0x0;
	[sflag:s5] =	ssyncpa.u1 $0x0;
	s3 =	sor.u32 s4, s3  }
0x8: {  	s4 =	sadd.s32 $0x18E800, s11;
	[sflag:s6] =	ssyncpa.u1 $0x0;
	s7 =	ssub.s32 $0x2000, s3  }
.Ltmp0:
0x9: {  	[sflag:s10] =	ssyncpa.u1 $0x0;
	s9 =	sand.u32 $0x1F00, s7;
	(pc) =	sbr.rel .LBB2_1-.Ltmp0, $4  }
0xa: {  	s31 =	sshrl.u32 s3, $0x3;
	p0 =	sne.s32 s9, $0x0;
	s9 =	simm.s32 $0x1  }
0xb: {  	s10 =	sadd.s32 $0x192800, s11;
	s7 =	sshrl.u32 s7, $0xD;
	s9 =	simm.s32 @!p0 $0x0  }
0xc: {  	s8 =	sadd.s32 s8, s31;
	p0 =	por $0x0, $0x0;
	s7 =	sadd.s32 s9, s7  }
0xd: {  	vm0 =	vmmov $0xffff;
	s9 =	sadd.s32 $0x190800, s11;
	s11 =	sadd.s32 $0x194800, s11;
	s12 =	sadd.s32 $0x1, s7  }
.LBB2_4:
0xe: {  	_ =	sdelay $0x3  }
0xf: {  	[tilespmem:s21], [sflag:$0x1] =	stream.indirect_vreg.gather [hbm4b:s2+s13], $0x1, v0, vm0, $0x4038;
	[tilespmem:$0x4200] =	vst v63  }
0x10: {  	s18 =	sshll.u32 s15, $0x3  }
0x11: {  	s24 =	sand.u32 $0x78, s15;
	s18 =	sand.u32 $0x7FFFFC00, s18  }
0x12: {  	_ =	swait.ge [sflag:s5], $0x2000;
	s15 =	sor.u32 s24, s18  }
0x13: {  	[sflag:s5] =	ssyncset.done $0x0;
	s15 =	sshrl.u32 s15, $0x3  }
0x14: {  	[sflag:s5] =	ssyncadd.s32 $0xFFFFE000;
	s25 =	sadd.s32 s4, s15  }
0x15: {  	[hbm:s25] =	stream.linear.scatter [tilespmem:s17], [sflag:$0x3], $0x800, $0x38;
	[tilespmem:$0x4200] =	vst v63  }
0x16: {  	s26 =	sadd.s32 $0xA00, s16;
	s28 =	sadd.s32 s15, s9  }
0x17: {  	[hbm:s28] =	stream.linear.scatter [tilespmem:s26], [sflag:$0x3], $0x800, $0x38;
	[tilespmem:$0x4200] =	vst v63  }
0x18: {  	s29 =	sadd.s32 $0x1200, s16;
	s30 =	sadd.s32 s15, s10  }
0x19: {  	[hbm:s30] =	stream.linear.scatter [tilespmem:s29], [sflag:$0x3], $0x800, $0x38;
	[tilespmem:$0x4200] =	vst v63  }
0x1a: {  	s31 =	sadd.s32 $0x1A00, s16;
	s15 =	sadd.s32 s15, s11  }
0x1b: {  	[hbm:s15] =	stream.linear.scatter [tilespmem:s31], [sflag:$0x3], $0x800, $0x38;
	[tilespmem:$0x4200] =	vst v63  }
.LBB2_5:
0x1c: {  	p2 =	sne.s32 s14, s12  }
.Ltmp1:
0x1d: {  	p1 =	slt.u32 s14, $0x2;
	(pc) =	sbr.rel @!p2 .LBB2_6-.Ltmp1, $4  }
0x1e: {  	s15 =	simm.s32 @!p1 $0x3  }
0x1f: {  	_ =	swait.ge @!p1 [sflag:s15], $0x2000  }
0x20: {  	s16 =	sadd.s32 $0x1, s14;
	p0 =	por !p0, !p0;
	[sflag:s15] =	ssyncset.done @!p1 $0x0  }
0x21: {  	s14 =	smov.u32 s16;
	[sflag:s15] =	ssyncadd.s32 @!p1 $0xFFFFE000;
	s15 =	smov.u32 s3  }
.LBB2_1:
0x22: {  	p1 =	sge.u32 s14, s7  }
0x23: {  	s16 =	sxor.u32 @!p1 $0xFFFFFFFF, s14  }
0x24: {  	s16 =	sshll.u32 @!p1 s16, $0x8  }
0x25: {  	s31 =	sadd.s32 $0xFFFFFFFF, s14;
	s17 =	simm.s32 @!p1 $0x0;
	s16 =	sand.u32 @!p1 $0x100, s16  }
0x26: {  	[tilespmem:s16], [sflag:$0x2] =	stream.linear.gather @!p1 [hbm4b:s8+s17], $0x100, $0x38;
	[tilespmem:$0x4200] =	vst v63  }
0x27: {  	p1 =	sge.u32 s31, s7  }
.Ltmp2:
0x28: {  	_ = 	snop;
	(pc) =	sbr.rel @p1 .LBB2_5-.Ltmp2, $1  }
0x29: {  	_ =	sdelay $0x3  }
0x2a: {  	s16 =	simm.s32 $0x1;
	_ =	swait.ge [sflag:s6], $0x100  }
0x2b: {  	s16 =	simm.s32 @!p0 $0x0;
	[sflag:s6] =	ssyncset.done $0x0  }
0x2c: {  	s19 =	sshll.u32 s16, $0x8;
	[sflag:s6] =	ssyncadd.s32 $0xFFFFFF00  }
0x2d: {  	v0 =	vld.msk [tilespmem:s19+$0x0 ss:$0x1], $0xffff;
	_ =	sdelay $0x4  }
0x2e: {  	vm1 =	vgt.s32 v0, $0x0  }
0x2f: {  	v0 =	vnsel vm1, $0x0, v0  }
0x30: {  	v0 =	vmin.u32 v0, $0xF423F  }
0x31: {  	v1 =	vshll.u32 v0, $0x3  }
0x32: {  	v0 =	vand.u32 $0x7F, v0;
	v1 =	vand.u32 $0x7FFC00, v1  }
0x33: {  	s22 =	sshll.u32 s14, $0xD;
	v0 =	vor.u32 v0, v1  }
0x34: {  	s18 =	simm.s32 $0x0;
	s16 =	sand.u32 $0x2000, s22  }
0x35: {  	s20 =	sand.u32 $0x400, s18;
	s17 =	sor.u32 $0x200, s16  }
0x36: {  	s21 =	sand.u32 $0x70, s18;
	(ifvalue) =	ssetifvalue $0x7FFFFFFF;
	s20 =	sadd.s32 s20, s17;
	v1 =	vor.u32 $0x80, v0  }
0x37: {  	(ifvalue) =	ssetifvalue $0x7FFFFFFF;
	s20 =	sadd.s32 s21, s20  }
0x38: {  	[tilespmem:s20], [sflag:$0x1] =	stream.indirect_vreg.gather [hbm4b:s2+s13], $0x1, v0, vm0, $0x4038;
	[tilespmem:$0x4200] =	vst v63  }
0x39: {  	v2 =	vor.u32 $0x100, v0;
	(ifvalue) =	ssetifvalue $0x7FFFFFFF  }
0x3a: {  	s21 =	sadd.s32 $0x80, s20;
	(ifvalue) =	ssetifvalue $0x7FFFFFFF  }
0x3b: {  	[tilespmem:s21], [sflag:$0x1] =	stream.indirect_vreg.gather [hbm4b:s2+s13], $0x1, v1, vm0, $0x4038;
	[tilespmem:$0x4200] =	vst v63  }
0x3c: {  	v1 =	vor.u32 $0x180, v0;
	(ifvalue) =	ssetifvalue $0x7FFFFFFF  }
0x3d: {  	s23 =	sadd.s32 $0x100, s20;
	(ifvalue) =	ssetifvalue $0x7FFFFFFF  }
0x3e: {  	[tilespmem:s23], [sflag:$0x1] =	stream.indirect_vreg.gather [hbm4b:s2+s13], $0x1, v2, vm0, $0x4038;
	[tilespmem:$0x4200] =	vst v63  }
0x3f: {  	v2 =	vor.u32 $0x200, v0;
	(ifvalue) =	ssetifvalue $0x7FFFFFFF  }
0x40: {  	s24 =	sadd.s32 $0x180, s20;
	(ifvalue) =	ssetifvalue $0x7FFFFFFF  }
0x41: {  	[tilespmem:s24], [sflag:$0x1] =	stream.indirect_vreg.gather [hbm4b:s2+s13], $0x1, v1, vm0, $0x4038;
	[tilespmem:$0x4200] =	vst v63  }
0x42: {  	(ifvalue) =	ssetifvalue $0x7FFFFFFF;
	v1 =	vor.u32 $0x280, v0  }
0x43: {  	s25 =	sadd.s32 $0x200, s20;
	(ifvalue) =	ssetifvalue $0x7FFFFFFF  }
0x44: {  	[tilespmem:s25], [sflag:$0x1] =	stream.indirect_vreg.gather [hbm4b:s2+s13], $0x1, v2, vm0, $0x4038;
	[tilespmem:$0x4200] =	vst v63  }
0x45: {  	(ifvalue) =	ssetifvalue $0x7FFFFFFF;
	v2 =	vor.u32 $0x300, v0  }
0x46: {  	s26 =	sadd.s32 $0x280, s20;
	(ifvalue) =	ssetifvalue $0x7FFFFFFF  }
0x47: {  	[tilespmem:s26], [sflag:$0x1] =	stream.indirect_vreg.gather [hbm4b:s2+s13], $0x1, v1, vm0, $0x4038;
	[tilespmem:$0x4200] =	vst v63  }
0x48: {  	(ifvalue) =	ssetifvalue $0x7FFFFFFF;
	v1 =	vor.u32 $0x380, v0  }
0x49: {  	s18 =	sor.u32 s18, s18;
	s28 =	sadd.s32 $0x300, s20;
	(ifvalue) =	ssetifvalue $0x7FFFFFFF  }
0x4a: {  	[tilespmem:s28], [sflag:$0x1] =	stream.indirect_vreg.gather [hbm4b:s2+s13], $0x1, v2, vm0, $0x4038;
	[tilespmem:$0x4200] =	vst v63  }
0x4b: {  	s18 =	sor.u32 $0x380, s18;
	(ifvalue) =	ssetifvalue $0x7FFFFFFF;
	v2 =	vadd.s32 $0x7A1400, v0  }
0x4c: {  	s18 =	sadd.s32 s18, s17;
	(ifvalue) =	ssetifvalue $0x7FFFFFFF  }
0x4d: {  	[tilespmem:s18], [sflag:$0x1] =	stream.indirect_vreg.gather [hbm4b:s2+s13], $0x1, v1, vm0, $0x4038;
	[tilespmem:$0x4200] =	vst v63  }
0x4e: {  	(ifvalue) =	ssetifvalue $0x7FFFFFFF;
	v1 =	vadd.s32 $0x7A1480, v0  }
0x4f: {  	s29 =	sadd.s32 $0x800, s20;
	(ifvalue) =	ssetifvalue $0x7FFFFFFF  }
0x50: {  	[tilespmem:s29], [sflag:$0x1] =	stream.indirect_vreg.gather [hbm4b:s2+s13], $0x1, v2, vm0, $0x4038;
	[tilespmem:$0x4200] =	vst v63  }
0x51: {  	(ifvalue) =	ssetifvalue $0x7FFFFFFF;
	v2 =	vadd.s32 $0x7A1500, v0  }
0x52: {  	s30 =	sadd.s32 $0x880, s20;
	(ifvalue) =	ssetifvalue $0x7FFFFFFF  }
0x53: {  	[tilespmem:s30], [sflag:$0x1] =	stream.indirect_vreg.gather [hbm4b:s2+s13], $0x1, v1, vm0, $0x4038;
	[tilespmem:$0x4200] =	vst v63  }
0x54: {  	(ifvalue) =	ssetifvalue $0x7FFFFFFF;
	v1 =	vadd.s32 $0x7A1580, v0  }
0x55: {  	s31 =	sadd.s32 $0x900, s20;
	(ifvalue) =	ssetifvalue $0x7FFFFFFF  }
0x56: {  	[tilespmem:s31], [sflag:$0x1] =	stream.indirect_vreg.gather [hbm4b:s2+s13], $0x1, v2, vm0, $0x4038;
	[tilespmem:$0x4200] =	vst v63  }
0x57: {  	(ifvalue) =	ssetifvalue $0x7FFFFFFF;
	v2 =	vadd.s32 $0x7A1600, v0  }
0x58: {  	s21 =	sadd.s32 $0x980, s20;
	(ifvalue) =	ssetifvalue $0x7FFFFFFF  }
0x59: {  	[tilespmem:s21], [sflag:$0x1] =	stream.indirect_vreg.gather [hbm4b:s2+s13], $0x1, v1, vm0, $0x4038;
	[tilespmem:$0x4200] =	vst v63  }
0x5a: {  	(ifvalue) =	ssetifvalue $0x7FFFFFFF;
	v1 =	vadd.s32 $0x7A1680, v0  }
0x5b: {  	s22 =	sadd.s32 $0xA00, s20;
	(ifvalue) =	ssetifvalue $0x7FFFFFFF  }
0x5c: {  	[tilespmem:s22], [sflag:$0x1] =	stream.indirect_vreg.gather [hbm4b:s2+s13], $0x1, v2, vm0, $0x4038;
	[tilespmem:$0x4200] =	vst v63  }
0x5d: {  	(ifvalue) =	ssetifvalue $0x7FFFFFFF;
	v2 =	vadd.s32 $0x7A1700, v0  }
0x5e: {  	s23 =	sadd.s32 $0xA80, s20;
	(ifvalue) =	ssetifvalue $0x7FFFFFFF  }
0x5f: {  	[tilespmem:s23], [sflag:$0x1] =	stream.indirect_vreg.gather [hbm4b:s2+s13], $0x1, v1, vm0, $0x4038;
	[tilespmem:$0x4200] =	vst v63  }
0x60: {  	(ifvalue) =	ssetifvalue $0x7FFFFFFF;
	v1 =	vadd.s32 $0x7A1780, v0  }
0x61: {  	s24 =	sadd.s32 $0xB00, s20;
	(ifvalue) =	ssetifvalue $0x7FFFFFFF  }
0x62: {  	[tilespmem:s24], [sflag:$0x1] =	stream.indirect_vreg.gather [hbm4b:s2+s13], $0x1, v2, vm0, $0x4038;
	[tilespmem:$0x4200] =	vst v63  }
0x63: {  	(ifvalue) =	ssetifvalue $0x7FFFFFFF;
	v2 =	vadd.s32 $0xF42800, v0  }
0x64: {  	s25 =	sadd.s32 $0xB80, s20;
	(ifvalue) =	ssetifvalue $0x7FFFFFFF  }
0x65: {  	[tilespmem:s25], [sflag:$0x1] =	stream.indirect_vreg.gather [hbm4b:s2+s13], $0x1, v1, vm0, $0x4038;
	[tilespmem:$0x4200] =	vst v63  }
0x66: {  	(ifvalue) =	ssetifvalue $0x7FFFFFFF;
	v1 =	vadd.s32 $0xF42880, v0  }
0x67: {  	s26 =	sadd.s32 $0x1000, s20;
	(ifvalue) =	ssetifvalue $0x7FFFFFFF  }
0x68: {  	[tilespmem:s26], [sflag:$0x1] =	stream.indirect_vreg.gather [hbm4b:s2+s13], $0x1, v2, vm0, $0x4038;
	[tilespmem:$0x4200] =	vst v63  }
0x69: {  	(ifvalue) =	ssetifvalue $0x7FFFFFFF;
	v2 =	vadd.s32 $0xF42900, v0  }
0x6a: {  	s28 =	sadd.s32 $0x1080, s20;
	(ifvalue) =	ssetifvalue $0x7FFFFFFF  }
0x6b: {  	[tilespmem:s28], [sflag:$0x1] =	stream.indirect_vreg.gather [hbm4b:s2+s13], $0x1, v1, vm0, $0x4038;
	[tilespmem:$0x4200] =	vst v63  }
0x6c: {  	(ifvalue) =	ssetifvalue $0x7FFFFFFF;
	v1 =	vadd.s32 $0xF42980, v0  }
0x6d: {  	s29 =	sadd.s32 $0x1100, s20;
	(ifvalue) =	ssetifvalue $0x7FFFFFFF  }
0x6e: {  	[tilespmem:s29], [sflag:$0x1] =	stream.indirect_vreg.gather [hbm4b:s2+s13], $0x1, v2, vm0, $0x4038;
	[tilespmem:$0x4200] =	vst v63  }
0x6f: {  	(ifvalue) =	ssetifvalue $0x7FFFFFFF;
	v2 =	vadd.s32 $0xF42A00, v0  }
0x70: {  	s30 =	sadd.s32 $0x1180, s20;
	(ifvalue) =	ssetifvalue $0x7FFFFFFF  }
0x71: {  	[tilespmem:s30], [sflag:$0x1] =	stream.indirect_vreg.gather [hbm4b:s2+s13], $0x1, v1, vm0, $0x4038;
	[tilespmem:$0x4200] =	vst v63  }
0x72: {  	(ifvalue) =	ssetifvalue $0x7FFFFFFF;
	v1 =	vadd.s32 $0xF42A80, v0  }
0x73: {  	s31 =	sadd.s32 $0x1200, s20;
	(ifvalue) =	ssetifvalue $0x7FFFFFFF  }
0x74: {  	[tilespmem:s31], [sflag:$0x1] =	stream.indirect_vreg.gather [hbm4b:s2+s13], $0x1, v2, vm0, $0x4038;
	[tilespmem:$0x4200] =	vst v63  }
0x75: {  	(ifvalue) =	ssetifvalue $0x7FFFFFFF;
	v2 =	vadd.s32 $0xF42B00, v0  }
0x76: {  	s21 =	sadd.s32 $0x1280, s20;
	(ifvalue) =	ssetifvalue $0x7FFFFFFF  }
0x77: {  	[tilespmem:s21], [sflag:$0x1] =	stream.indirect_vreg.gather [hbm4b:s2+s13], $0x1, v1, vm0, $0x4038;
	[tilespmem:$0x4200] =	vst v63  }
0x78: {  	(ifvalue) =	ssetifvalue $0x7FFFFFFF;
	v1 =	vadd.s32 $0xF42B80, v0  }
0x79: {  	s22 =	sadd.s32 $0x1300, s20;
	(ifvalue) =	ssetifvalue $0x7FFFFFFF  }
0x7a: {  	[tilespmem:s22], [sflag:$0x1] =	stream.indirect_vreg.gather [hbm4b:s2+s13], $0x1, v2, vm0, $0x4038;
	[tilespmem:$0x4200] =	vst v63  }
0x7b: {  	(ifvalue) =	ssetifvalue $0x7FFFFFFF;
	v2 =	vadd.s32 $0x16E3C00, v0  }
0x7c: {  	s23 =	sadd.s32 $0x1380, s20;
	(ifvalue) =	ssetifvalue $0x7FFFFFFF  }
0x7d: {  	[tilespmem:s23], [sflag:$0x1] =	stream.indirect_vreg.gather [hbm4b:s2+s13], $0x1, v1, vm0, $0x4038;
	[tilespmem:$0x4200] =	vst v63  }
0x7e: {  	(ifvalue) =	ssetifvalue $0x7FFFFFFF;
	v1 =	vadd.s32 $0x16E3C80, v0  }
0x7f: {  	s24 =	sadd.s32 $0x1800, s20;
	(ifvalue) =	ssetifvalue $0x7FFFFFFF  }
0x80: {  	[tilespmem:s24], [sflag:$0x1] =	stream.indirect_vreg.gather [hbm4b:s2+s13], $0x1, v2, vm0, $0x4038;
	[tilespmem:$0x4200] =	vst v63  }
0x81: {  	(ifvalue) =	ssetifvalue $0x7FFFFFFF;
	v2 =	vadd.s32 $0x16E3D00, v0  }
0x82: {  	s25 =	sadd.s32 $0x1880, s20;
	(ifvalue) =	ssetifvalue $0x7FFFFFFF  }
0x83: {  	[tilespmem:s25], [sflag:$0x1] =	stream.indirect_vreg.gather [hbm4b:s2+s13], $0x1, v1, vm0, $0x4038;
	[tilespmem:$0x4200] =	vst v63  }
0x84: {  	(ifvalue) =	ssetifvalue $0x7FFFFFFF;
	v1 =	vadd.s32 $0x16E3D80, v0  }
0x85: {  	s26 =	sadd.s32 $0x1900, s20;
	(ifvalue) =	ssetifvalue $0x7FFFFFFF  }
0x86: {  	[tilespmem:s26], [sflag:$0x1] =	stream.indirect_vreg.gather [hbm4b:s2+s13], $0x1, v2, vm0, $0x4038;
	[tilespmem:$0x4200] =	vst v63  }
0x87: {  	(ifvalue) =	ssetifvalue $0x7FFFFFFF;
	v2 =	vadd.s32 $0x16E3E00, v0  }
0x88: {  	s28 =	sadd.s32 $0x1980, s20;
	(ifvalue) =	ssetifvalue $0x7FFFFFFF  }
0x89: {  	[tilespmem:s28], [sflag:$0x1] =	stream.indirect_vreg.gather [hbm4b:s2+s13], $0x1, v1, vm0, $0x4038;
	[tilespmem:$0x4200] =	vst v63  }
0x8a: {  	(ifvalue) =	ssetifvalue $0x7FFFFFFF;
	v1 =	vadd.s32 $0x16E3E80, v0  }
0x8b: {  	s29 =	sadd.s32 $0x1A00, s20;
	(ifvalue) =	ssetifvalue $0x7FFFFFFF  }
0x8c: {  	[tilespmem:s29], [sflag:$0x1] =	stream.indirect_vreg.gather [hbm4b:s2+s13], $0x1, v2, vm0, $0x4038;
	[tilespmem:$0x4200] =	vst v63  }
0x8d: {  	(ifvalue) =	ssetifvalue $0x7FFFFFFF;
	v2 =	vadd.s32 $0x16E3F00, v0  }
0x8e: {  	s30 =	sadd.s32 $0x1A80, s20;
	(ifvalue) =	ssetifvalue $0x7FFFFFFF  }
0x8f: {  	[tilespmem:s30], [sflag:$0x1] =	stream.indirect_vreg.gather [hbm4b:s2+s13], $0x1, v1, vm0, $0x4038;
	[tilespmem:$0x4200] =	vst v63  }
0x90: {  	v0 =	vadd.s32 $0x16E3F80, v0;
	(ifvalue) =	ssetifvalue $0x7FFFFFFF  }
0x91: {  	s31 =	sadd.s32 $0x1B00, s20;
	(ifvalue) =	ssetifvalue $0x7FFFFFFF  }
0x92: {  	[tilespmem:s31], [sflag:$0x1] =	stream.indirect_vreg.gather [hbm4b:s2+s13], $0x1, v2, vm0, $0x4038;
	[tilespmem:$0x4200] =	vst v63  }
0x93: {  	s19 =	sadd.s32 $0x10, s19;
	s18 =	simm.s32 $0x10;
	(ifvalue) =	ssetifvalue $0x7FFFFFFF  }
0x94: {  	s21 =	sadd.s32 $0x1B80, s20;
	s20 =	simm.s32 $0x80;
	(ifvalue) =	ssetifvalue $0x7FFFFFFF  }
.LBB2_3:
0x95: {  	[tilespmem:s21], [sflag:$0x1] =	stream.indirect_vreg.gather [hbm4b:s2+s13], $0x1, v0, vm0, $0x4038;
	[tilespmem:$0x4200] =	vst v63  }
0x96: {  	p1 =	sne.s32 s18, $0xF0;
	s22 =	smov.u32 s18;
	s18 =	sadd.s32 $0x10, s18;
	v0 =	vld.msk [tilespmem:s19+$0x0 ss:$0x1], $0xffff  }
0x97: {  	(ifvalue) =	ssetifvalue $0x7FFFFFFF;
	_ =	sdelay $0x4  }
0x98: {  	vm1 =	vgt.s32 v0, $0x0  }
0x99: {  	v0 =	vnsel vm1, $0x0, v0  }
0x9a: {  	v0 =	vmin.u32 v0, $0xF423F  }
0x9b: {  	v1 =	vshll.u32 v0, $0x3  }
0x9c: {  	v0 =	vand.u32 $0x7F, v0;
	v1 =	vand.u32 $0x7FFC00, v1  }
0x9d: {  	v0 =	vor.u32 v0, v1;
	_ =	sdelay $0x1  }
0x9e: {  	s21 =	sand.u32 $0x400, s20  }
0x9f: {  	s23 =	sand.u32 $0x70, s22;
	s21 =	sadd.s32 s21, s17;
	v1 =	vor.u32 $0x80, v0  }
0xa0: {  	s21 =	sadd.s32 s23, s21;
	(ifvalue) =	ssetifvalue $0x7FFFFFFF  }
0xa1: {  	[tilespmem:s21], [sflag:$0x1] =	stream.indirect_vreg.gather [hbm4b:s2+s13], $0x1, v0, vm0, $0x4038;
	[tilespmem:$0x4200] =	vst v63  }
0xa2: {  	v2 =	vor.u32 $0x100, v0;
	(ifvalue) =	ssetifvalue $0x7FFFFFFF  }
0xa3: {  	s23 =	sadd.s32 $0x80, s21;
	(ifvalue) =	ssetifvalue $0x7FFFFFFF  }
0xa4: {  	[tilespmem:s23], [sflag:$0x1] =	stream.indirect_vreg.gather [hbm4b:s2+s13], $0x1, v1, vm0, $0x4038;
	[tilespmem:$0x4200] =	vst v63  }
0xa5: {  	v1 =	vor.u32 $0x180, v0;
	(ifvalue) =	ssetifvalue $0x7FFFFFFF  }
0xa6: {  	s23 =	sadd.s32 $0x100, s21;
	(ifvalue) =	ssetifvalue $0x7FFFFFFF  }
0xa7: {  	[tilespmem:s23], [sflag:$0x1] =	stream.indirect_vreg.gather [hbm4b:s2+s13], $0x1, v2, vm0, $0x4038;
	[tilespmem:$0x4200] =	vst v63  }
0xa8: {  	v2 =	vor.u32 $0x200, v0;
	(ifvalue) =	ssetifvalue $0x7FFFFFFF  }
0xa9: {  	s23 =	sadd.s32 $0x180, s21;
	(ifvalue) =	ssetifvalue $0x7FFFFFFF  }
0xaa: {  	[tilespmem:s23], [sflag:$0x1] =	stream.indirect_vreg.gather [hbm4b:s2+s13], $0x1, v1, vm0, $0x4038;
	[tilespmem:$0x4200] =	vst v63  }
0xab: {  	v1 =	vor.u32 $0x280, v0;
	(ifvalue) =	ssetifvalue $0x7FFFFFFF  }
0xac: {  	s23 =	sadd.s32 $0x200, s21;
	(ifvalue) =	ssetifvalue $0x7FFFFFFF  }
0xad: {  	[tilespmem:s23], [sflag:$0x1] =	stream.indirect_vreg.gather [hbm4b:s2+s13], $0x1, v2, vm0, $0x4038;
	[tilespmem:$0x4200] =	vst v63  }
0xae: {  	v2 =	vor.u32 $0x300, v0;
	(ifvalue) =	ssetifvalue $0x7FFFFFFF  }
0xaf: {  	s23 =	sadd.s32 $0x280, s21;
	(ifvalue) =	ssetifvalue $0x7FFFFFFF  }
0xb0: {  	[tilespmem:s23], [sflag:$0x1] =	stream.indirect_vreg.gather [hbm4b:s2+s13], $0x1, v1, vm0, $0x4038;
	[tilespmem:$0x4200] =	vst v63  }
0xb1: {  	v1 =	vor.u32 $0x380, v0;
	(ifvalue) =	ssetifvalue $0x7FFFFFFF  }
0xb2: {  	s22 =	sor.u32 s20, s22;
	s23 =	sadd.s32 $0x300, s21;
	(ifvalue) =	ssetifvalue $0x7FFFFFFF  }
0xb3: {  	[tilespmem:s23], [sflag:$0x1] =	stream.indirect_vreg.gather [hbm4b:s2+s13], $0x1, v2, vm0, $0x4038;
	[tilespmem:$0x4200] =	vst v63  }
0xb4: {  	s22 =	sor.u32 $0x380, s22;
	v2 =	vadd.s32 $0x7A1400, v0;
	(ifvalue) =	ssetifvalue $0x7FFFFFFF  }
0xb5: {  	s22 =	sadd.s32 s22, s17;
	(ifvalue) =	ssetifvalue $0x7FFFFFFF  }
0xb6: {  	[tilespmem:s22], [sflag:$0x1] =	stream.indirect_vreg.gather [hbm4b:s2+s13], $0x1, v1, vm0, $0x4038;
	[tilespmem:$0x4200] =	vst v63  }
0xb7: {  	v1 =	vadd.s32 $0x7A1480, v0;
	(ifvalue) =	ssetifvalue $0x7FFFFFFF  }
0xb8: {  	s22 =	sadd.s32 $0x800, s21;
	(ifvalue) =	ssetifvalue $0x7FFFFFFF  }
0xb9: {  	[tilespmem:s22], [sflag:$0x1] =	stream.indirect_vreg.gather [hbm4b:s2+s13], $0x1, v2, vm0, $0x4038;
	[tilespmem:$0x4200] =	vst v63  }
0xba: {  	v2 =	vadd.s32 $0x7A1500, v0;
	(ifvalue) =	ssetifvalue $0x7FFFFFFF  }
0xbb: {  	s22 =	sadd.s32 $0x880, s21;
	(ifvalue) =	ssetifvalue $0x7FFFFFFF  }
0xbc: {  	[tilespmem:s22], [sflag:$0x1] =	stream.indirect_vreg.gather [hbm4b:s2+s13], $0x1, v1, vm0, $0x4038;
	[tilespmem:$0x4200] =	vst v63  }
0xbd: {  	v1 =	vadd.s32 $0x7A1580, v0;
	(ifvalue) =	ssetifvalue $0x7FFFFFFF  }
0xbe: {  	s22 =	sadd.s32 $0x900, s21;
	(ifvalue) =	ssetifvalue $0x7FFFFFFF  }
0xbf: {  	[tilespmem:s22], [sflag:$0x1] =	stream.indirect_vreg.gather [hbm4b:s2+s13], $0x1, v2, vm0, $0x4038;
	[tilespmem:$0x4200] =	vst v63  }
0xc0: {  	v2 =	vadd.s32 $0x7A1600, v0;
	(ifvalue) =	ssetifvalue $0x7FFFFFFF  }
0xc1: {  	s22 =	sadd.s32 $0x980, s21;
	(ifvalue) =	ssetifvalue $0x7FFFFFFF  }
0xc2: {  	[tilespmem:s22], [sflag:$0x1] =	stream.indirect_vreg.gather [hbm4b:s2+s13], $0x1, v1, vm0, $0x4038;
	[tilespmem:$0x4200] =	vst v63  }
0xc3: {  	v1 =	vadd.s32 $0x7A1680, v0;
	(ifvalue) =	ssetifvalue $0x7FFFFFFF  }
0xc4: {  	s22 =	sadd.s32 $0xA00, s21;
	(ifvalue) =	ssetifvalue $0x7FFFFFFF  }
0xc5: {  	[tilespmem:s22], [sflag:$0x1] =	stream.indirect_vreg.gather [hbm4b:s2+s13], $0x1, v2, vm0, $0x4038;
	[tilespmem:$0x4200] =	vst v63  }
0xc6: {  	v2 =	vadd.s32 $0x7A1700, v0;
	(ifvalue) =	ssetifvalue $0x7FFFFFFF  }
0xc7: {  	s22 =	sadd.s32 $0xA80, s21;
	(ifvalue) =	ssetifvalue $0x7FFFFFFF  }
0xc8: {  	[tilespmem:s22], [sflag:$0x1] =	stream.indirect_vreg.gather [hbm4b:s2+s13], $0x1, v1, vm0, $0x4038;
	[tilespmem:$0x4200] =	vst v63  }
0xc9: {  	v1 =	vadd.s32 $0x7A1780, v0;
	(ifvalue) =	ssetifvalue $0x7FFFFFFF  }
0xca: {  	s22 =	sadd.s32 $0xB00, s21;
	(ifvalue) =	ssetifvalue $0x7FFFFFFF  }
0xcb: {  	[tilespmem:s22], [sflag:$0x1] =	stream.indirect_vreg.gather [hbm4b:s2+s13], $0x1, v2, vm0, $0x4038;
	[tilespmem:$0x4200] =	vst v63  }
0xcc: {  	v2 =	vadd.s32 $0xF42800, v0;
	(ifvalue) =	ssetifvalue $0x7FFFFFFF  }
0xcd: {  	s22 =	sadd.s32 $0xB80, s21;
	(ifvalue) =	ssetifvalue $0x7FFFFFFF  }
0xce: {  	[tilespmem:s22], [sflag:$0x1] =	stream.indirect_vreg.gather [hbm4b:s2+s13], $0x1, v1, vm0, $0x4038;
	[tilespmem:$0x4200] =	vst v63  }
0xcf: {  	v1 =	vadd.s32 $0xF42880, v0;
	(ifvalue) =	ssetifvalue $0x7FFFFFFF  }
0xd0: {  	s22 =	sadd.s32 $0x1000, s21;
	(ifvalue) =	ssetifvalue $0x7FFFFFFF  }
0xd1: {  	[tilespmem:s22], [sflag:$0x1] =	stream.indirect_vreg.gather [hbm4b:s2+s13], $0x1, v2, vm0, $0x4038;
	[tilespmem:$0x4200] =	vst v63  }
0xd2: {  	v2 =	vadd.s32 $0xF42900, v0;
	(ifvalue) =	ssetifvalue $0x7FFFFFFF  }
0xd3: {  	s22 =	sadd.s32 $0x1080, s21;
	(ifvalue) =	ssetifvalue $0x7FFFFFFF  }
0xd4: {  	[tilespmem:s22], [sflag:$0x1] =	stream.indirect_vreg.gather [hbm4b:s2+s13], $0x1, v1, vm0, $0x4038;
	[tilespmem:$0x4200] =	vst v63  }
0xd5: {  	v1 =	vadd.s32 $0xF42980, v0;
	(ifvalue) =	ssetifvalue $0x7FFFFFFF  }
0xd6: {  	s22 =	sadd.s32 $0x1100, s21;
	(ifvalue) =	ssetifvalue $0x7FFFFFFF  }
0xd7: {  	[tilespmem:s22], [sflag:$0x1] =	stream.indirect_vreg.gather [hbm4b:s2+s13], $0x1, v2, vm0, $0x4038;
	[tilespmem:$0x4200] =	vst v63  }
0xd8: {  	v2 =	vadd.s32 $0xF42A00, v0;
	(ifvalue) =	ssetifvalue $0x7FFFFFFF  }
0xd9: {  	s22 =	sadd.s32 $0x1180, s21;
	(ifvalue) =	ssetifvalue $0x7FFFFFFF  }
0xda: {  	[tilespmem:s22], [sflag:$0x1] =	stream.indirect_vreg.gather [hbm4b:s2+s13], $0x1, v1, vm0, $0x4038;
	[tilespmem:$0x4200] =	vst v63  }
0xdb: {  	v1 =	vadd.s32 $0xF42A80, v0;
	(ifvalue) =	ssetifvalue $0x7FFFFFFF  }
0xdc: {  	s22 =	sadd.s32 $0x1200, s21;
	(ifvalue) =	ssetifvalue $0x7FFFFFFF  }
0xdd: {  	[tilespmem:s22], [sflag:$0x1] =	stream.indirect_vreg.gather [hbm4b:s2+s13], $0x1, v2, vm0, $0x4038;
	[tilespmem:$0x4200] =	vst v63  }
0xde: {  	v2 =	vadd.s32 $0xF42B00, v0;
	(ifvalue) =	ssetifvalue $0x7FFFFFFF  }
0xdf: {  	s22 =	sadd.s32 $0x1280, s21;
	(ifvalue) =	ssetifvalue $0x7FFFFFFF  }
0xe0: {  	[tilespmem:s22], [sflag:$0x1] =	stream.indirect_vreg.gather [hbm4b:s2+s13], $0x1, v1, vm0, $0x4038;
	[tilespmem:$0x4200] =	vst v63  }
0xe1: {  	v1 =	vadd.s32 $0xF42B80, v0;
	(ifvalue) =	ssetifvalue $0x7FFFFFFF  }
0xe2: {  	s22 =	sadd.s32 $0x1300, s21;
	(ifvalue) =	ssetifvalue $0x7FFFFFFF  }
0xe3: {  	[tilespmem:s22], [sflag:$0x1] =	stream.indirect_vreg.gather [hbm4b:s2+s13], $0x1, v2, vm0, $0x4038;
	[tilespmem:$0x4200] =	vst v63  }
0xe4: {  	v2 =	vadd.s32 $0x16E3C00, v0;
	(ifvalue) =	ssetifvalue $0x7FFFFFFF  }
0xe5: {  	s22 =	sadd.s32 $0x1380, s21;
	(ifvalue) =	ssetifvalue $0x7FFFFFFF  }
0xe6: {  	[tilespmem:s22], [sflag:$0x1] =	stream.indirect_vreg.gather [hbm4b:s2+s13], $0x1, v1, vm0, $0x4038;
	[tilespmem:$0x4200] =	vst v63  }
0xe7: {  	v1 =	vadd.s32 $0x16E3C80, v0;
	(ifvalue) =	ssetifvalue $0x7FFFFFFF  }
0xe8: {  	s22 =	sadd.s32 $0x1800, s21;
	(ifvalue) =	ssetifvalue $0x7FFFFFFF  }
0xe9: {  	[tilespmem:s22], [sflag:$0x1] =	stream.indirect_vreg.gather [hbm4b:s2+s13], $0x1, v2, vm0, $0x4038;
	[tilespmem:$0x4200] =	vst v63  }
0xea: {  	v2 =	vadd.s32 $0x16E3D00, v0;
	(ifvalue) =	ssetifvalue $0x7FFFFFFF  }
0xeb: {  	s22 =	sadd.s32 $0x1880, s21;
	(ifvalue) =	ssetifvalue $0x7FFFFFFF  }
0xec: {  	[tilespmem:s22], [sflag:$0x1] =	stream.indirect_vreg.gather [hbm4b:s2+s13], $0x1, v1, vm0, $0x4038;
	[tilespmem:$0x4200] =	vst v63  }
0xed: {  	v1 =	vadd.s32 $0x16E3D80, v0;
	(ifvalue) =	ssetifvalue $0x7FFFFFFF  }
0xee: {  	s22 =	sadd.s32 $0x1900, s21;
	(ifvalue) =	ssetifvalue $0x7FFFFFFF  }
0xef: {  	[tilespmem:s22], [sflag:$0x1] =	stream.indirect_vreg.gather [hbm4b:s2+s13], $0x1, v2, vm0, $0x4038;
	[tilespmem:$0x4200] =	vst v63  }
0xf0: {  	v2 =	vadd.s32 $0x16E3E00, v0;
	(ifvalue) =	ssetifvalue $0x7FFFFFFF  }
0xf1: {  	s22 =	sadd.s32 $0x1980, s21;
	(ifvalue) =	ssetifvalue $0x7FFFFFFF  }
0xf2: {  	[tilespmem:s22], [sflag:$0x1] =	stream.indirect_vreg.gather [hbm4b:s2+s13], $0x1, v1, vm0, $0x4038;
	[tilespmem:$0x4200] =	vst v63  }
0xf3: {  	v1 =	vadd.s32 $0x16E3E80, v0;
	(ifvalue) =	ssetifvalue $0x7FFFFFFF  }
0xf4: {  	s22 =	sadd.s32 $0x1A00, s21;
	(ifvalue) =	ssetifvalue $0x7FFFFFFF  }
0xf5: {  	[tilespmem:s22], [sflag:$0x1] =	stream.indirect_vreg.gather [hbm4b:s2+s13], $0x1, v2, vm0, $0x4038;
	[tilespmem:$0x4200] =	vst v63  }
0xf6: {  	v2 =	vadd.s32 $0x16E3F00, v0;
	(ifvalue) =	ssetifvalue $0x7FFFFFFF  }
0xf7: {  	s22 =	sadd.s32 $0x1A80, s21;
	(ifvalue) =	ssetifvalue $0x7FFFFFFF  }
0xf8: {  	[tilespmem:s22], [sflag:$0x1] =	stream.indirect_vreg.gather [hbm4b:s2+s13], $0x1, v1, vm0, $0x4038;
	[tilespmem:$0x4200] =	vst v63  }
.Ltmp3:
0xf9: {  	v0 =	vadd.s32 $0x16E3F80, v0;
	(ifvalue) =	ssetifvalue $0x7FFFFFFF;
	(pc) =	sbr.rel @p1 .LBB2_3-.Ltmp3, $4  }
0xfa: {  	s22 =	sadd.s32 $0x1B00, s21;
	(ifvalue) =	ssetifvalue $0x7FFFFFFF  }
0xfb: {  	[tilespmem:s22], [sflag:$0x1] =	stream.indirect_vreg.gather [hbm4b:s2+s13], $0x1, v2, vm0, $0x4038;
	[tilespmem:$0x4200] =	vst v63  }
0xfc: {  	s19 =	sadd.s32 $0x10, s19;
	(ifvalue) =	ssetifvalue $0x7FFFFFFF  }
0xfd: {  	s20 =	sadd.s32 $0x80, s20;
	s21 =	sadd.s32 $0x1B80, s21;
	(ifvalue) =	ssetifvalue $0x7FFFFFFF  }
.Ltmp4:
0xfe: {  	_ = 	snop;
	(pc) =	sbr.rel .LBB2_4-.Ltmp4, $1  }
0xff: {  	_ =	sdelay $0x3  }
.LBB2_6:
0x100: {  	_ =	sfence.sel $0x180000  }
0x101: {  	s2 =	simm.s32 $0x2;
	[bflag:$0x0] =	sbarrier.arrive $0xFFFF  }
0x102: {  	s30 =	simm.s32 $0x3;
	[sflag:s2] =	ssyncpa.u1 $0x1  }
0x103: {  	s31 =	simm.s32 $0x1;
	[sflag:s30] =	ssyncpa.u1 $0x1  }
0x104: {  	[sflag:s31] =	ssyncpa.u1 $0x1  }
0x105: {  	p0 =	sne.s32 s1, $0x0;
	_ =	strace $0x90000047  }
0x106: {  	s0 =	sadd.s32 @!p0 $0x100000, s0;
	[bflag:$0x2] =	sbarrier.arrive $0xFFFF  }
0x107: {  	[sflag:s0] =	ssyncadd.tile.s32 @!p0 $0x1;
	_ =	shalt  }
.Lfunc_end2:
_tile_overlayer_lowered:
.L_overlay_start_2:
0x108: {  	(tag) =	ssettag $0x2  }
0x109: {  	s0 =	rddreg [dreg:$0x0];
	s2 =	stileid.u32  }
0x10a: {  	s1 =	rddreg [dreg:$0x1];
	p0 =	sne.s32 s2, $0x0  }
0x10b: {  	s3 =	rddreg [dreg:$0x2];
	[bflag:$0x3] =	sbarrier.arrive $0xFFFF;
	s2 =	simm.s32 @!p0 $0x1C01  }
0x10c: {  	[timem:s3], [sflag:s2] =	dma.local @!p0 [hbm:s0], s1  }
0x10d: {  	s0 =	simm.s32 @!p0 $0x1  }
0x10e: {  	_ =	swait.ge @!p0 [sflag:s0], s1  }
0x10f: {  	s1 =	ssub.s32 @!p0 $0x0, s1;
	[sflag:s0] =	ssyncset.done @!p0 $0x0  }
0x110: {  	[sflag:s0] =	ssyncadd.s32 @!p0 s1  }
0x111: {  	[bflag:$0x3] =	sbarrier.arrive $0xFFFF  }
0x112: {  	_ =	shalt  }

</sc_bundles>
